<compile_context>
chip_gen: v7x
topology: tpu7x:2x2x1
jax: 0.10.2.dev20260603
libtpu: 0.0.44.dev20260713+nightly
codegen_flags: <defaults>
</compile_context>

<pallas_src>
import jax
import jax.numpy as jnp
from jax import lax
from jax.experimental import pallas as pl
from jax.experimental.pallas import tpu as pltpu
from jax.experimental.pallas import tpu_sc as plsc
import functools as _functools

_N = 5000
_NP = 5120
_ROWS = 8
_COLS = _NP // _ROWS
_NMS_T = 0.3
_SCORE_T = 0.05

_NC = 2
_NS = 16
_NW = _NC * _NS
_RPW = _NP // _NW
_HALF = _RPW // 2
_W = 16


def _rank_body(scol_ref, srow_ref, rank_ref):
    f32 = jnp.float32
    srow = srow_ref[...]
    gidx_row = lax.broadcasted_iota(jnp.int32, (1, _NP), 1).astype(f32)
    chunk = 640
    for q in range(_NP // chunk):
        sc = scol_ref[q * chunk:(q + 1) * chunk, :]
        gc = lax.broadcasted_iota(jnp.int32, (chunk, 1), 0).astype(f32) \
            + float(q * chunk)
        cmp = (srow > sc) | ((srow == sc) & (gidx_row < gc))
        rank_ref[q * chunk:(q + 1) * chunk, :] = jnp.sum(
            cmp.astype(f32), axis=1, keepdims=True).astype(jnp.int32)


def _sc_permute_body(xt_hbm, rank_hbm, out_hbm, idx_a, idx_b, rows_a, rows_b,
                     sem):
    wid = lax.axis_index("s") * _NC + lax.axis_index("c")
    base = wid * _RPW
    pltpu.sync_copy(rank_hbm.at[pl.ds(base, _HALF)], idx_a)
    pltpu.sync_copy(rank_hbm.at[pl.ds(base + _HALF, _HALF)], idx_b)
    pltpu.sync_copy(xt_hbm.at[pl.ds(base, _HALF), :], rows_a)
    pltpu.sync_copy(xt_hbm.at[pl.ds(base + _HALF, _HALF), :], rows_b)
    pltpu.async_copy(rows_a, out_hbm.at[idx_a], sem).wait()
    pltpu.async_copy(rows_b, out_hbm.at[idx_b], sem).wait()


@_functools.lru_cache(maxsize=1)
def _get_sc_permute():
    return pl.kernel(
        _sc_permute_body,
        out_type=jax.ShapeDtypeStruct((_NP, _W), jnp.float32),
        mesh=plsc.VectorSubcoreMesh(core_axis_name="c", subcore_axis_name="s"),
        scratch_types=[
            pltpu.VMEM((_HALF,), jnp.int32),
            pltpu.VMEM((_HALF,), jnp.int32),
            pltpu.VMEM((_HALF, _W), jnp.float32),
            pltpu.VMEM((_HALF, _W), jnp.float32),
            pltpu.SemaphoreType.DMA,
        ],
        compiler_params=pltpu.CompilerParams(use_tc_tiling_on_sc=False),
    )


_B = 128


def _nms_body(xst_ref, o1, o2, o3, o4, o5):
    f32 = jnp.float32
    bf16 = jnp.bfloat16
    parts = [[] for _ in range(5)]
    for q in range(_ROWS):
        t = jnp.transpose(xst_ref[q * _COLS:(q + 1) * _COLS, :])
        for c in range(5):
            parts[c].append(t[c:c + 1, :])
    x1 = jnp.concatenate(parts[0], axis=1)
    y1 = jnp.concatenate(parts[1], axis=1)
    x2 = jnp.concatenate(parts[2], axis=1)
    y2 = jnp.concatenate(parts[3], axis=1)
    ss = jnp.concatenate(parts[4], axis=1)
    area = (x2 - x1) * (y2 - y1)
    v = xst_ref[:, 0:5]
    hi = v.astype(bf16).astype(f32)
    r = v - hi
    lo = r.astype(bf16).astype(f32)
    lolo = r - lo
    xsplit16 = jnp.concatenate(
        [hi, lo, lolo, jnp.zeros((_NP, 1), f32)], axis=1).astype(bf16)

    biota_c = lax.broadcasted_iota(jnp.int32, (_B, 1), 0).astype(f32)
    laneiota = lax.broadcasted_iota(jnp.int32, (1, _B), 1)
    tri = (lax.broadcasted_iota(jnp.int32, (_B, _B), 0)
           < lax.broadcasted_iota(jnp.int32, (_B, _B), 1))

    alive0 = (ss > _SCORE_T).astype(f32)
    keep0 = jnp.zeros((1, _NP), f32)
    cnt0 = jnp.sum(alive0)

    def cond(state):
        return state[2] > 0.0

    def body(state):
        alive, keep, _ = state
        cum = alive
        k = 1
        while k < _NP:
            cum = cum + jnp.pad(cum[:, :-k], ((0, 0), (k, 0)))
            k *= 2
        excl = cum - alive
        self32 = jnp.where((alive > 0.0) & (excl < float(_B)), 1.0, 0.0)
        C = ((excl == biota_c) & (alive > 0.0)).astype(f32)
        C16 = C.astype(bf16)
        blk = jax.lax.dot_general(
            C16, xsplit16, (((1,), (0,)), ((), ())),
            preferred_element_type=f32)
        blkT = jnp.transpose(blk)
        bx1c = (blk[:, 0:1] + blk[:, 5:6]) + blk[:, 10:11]
        by1c = (blk[:, 1:2] + blk[:, 6:7]) + blk[:, 11:12]
        bx2c = (blk[:, 2:3] + blk[:, 7:8]) + blk[:, 12:13]
        by2c = (blk[:, 3:4] + blk[:, 8:9]) + blk[:, 13:14]
        bx1r = (blkT[0:1, :] + blkT[5:6, :]) + blkT[10:11, :]
        by1r = (blkT[1:2, :] + blkT[6:7, :]) + blkT[11:12, :]
        bx2r = (blkT[2:3, :] + blkT[7:8, :]) + blkT[12:13, :]
        by2r = (blkT[3:4, :] + blkT[8:9, :]) + blkT[13:14, :]
        areac = (bx2c - bx1c) * (by2c - by1c)
        arear = (bx2r - bx1r) * (by2r - by1r)
        wb = jnp.maximum(jnp.minimum(bx2c, bx2r) - jnp.maximum(bx1c, bx1r), 0.0)
        hb = jnp.maximum(jnp.minimum(by2c, by2r) - jnp.maximum(by1c, by1r), 0.0)
        interb = wb * hb
        ioub = interb / jnp.maximum((areac + arear) - interb, 1e-9)
        S16 = jnp.where((ioub > _NMS_T) & tri, 1.0, 0.0).astype(bf16)

        nm = jnp.sum(self32)
        valid = (laneiota.astype(f32) < nm).astype(f32)

        def jcond(st):
            return st[1]

        def jbody(st):
            a, _ = st
            deadb = jax.lax.dot_general(
                a.astype(bf16), S16, (((1,), (0,)), ((), ())),
                preferred_element_type=f32)
            anew = jnp.where(deadb > 0.5, 0.0, valid)
            return anew, jnp.sum(jnp.abs(anew - a)) > 0.0

        a, _ = jax.lax.while_loop(jcond, jbody, (valid, jnp.bool_(True)))

        w = jnp.maximum(jnp.minimum(x2, bx2c) - jnp.maximum(x1, bx1c), 0.0)
        h = jnp.maximum(jnp.minimum(y2, by2c) - jnp.maximum(y1, by1c), 0.0)
        inter = w * h
        iou = inter / jnp.maximum((areac + area) - inter, 1e-9)
        P16 = (iou > _NMS_T).astype(bf16)
        a16 = a.astype(bf16)
        deadcnt = jax.lax.dot_general(
            a16, P16, (((1,), (0,)), ((), ())), preferred_element_type=f32)
        keep = jnp.maximum(keep, jax.lax.dot_general(
            a16, C16, (((1,), (0,)), ((), ())), preferred_element_type=f32))
        alive = jnp.where(deadcnt > 0.5, 0.0, alive * (1.0 - self32))
        return alive, keep, jnp.sum(alive)

    _, keep, _ = jax.lax.while_loop(cond, body, (alive0, keep0, cnt0))

    o1[...] = x1 * keep
    o2[...] = y1 * keep
    o3[...] = x2 * keep
    o4[...] = y2 * keep
    o5[...] = ss * keep


@jax.jit
def kernel(boxes, scores):
    n = boxes.shape[0]
    pad = _NP - n
    b = jnp.pad(boxes, ((0, pad), (0, 0)))
    s = jnp.pad(scores, ((0, pad),), constant_values=-1.0)
    scol = s.reshape(_NP, 1)
    srow = s.reshape(1, _NP)

    rank = pl.pallas_call(
        _rank_body,
        out_shape=jax.ShapeDtypeStruct((_NP, 1), jnp.int32),
    )(scol, srow)

    xt = jnp.concatenate(
        [b, s[:, None], jnp.zeros((_NP, _W - 5), jnp.float32)], axis=1)
    xst = _get_sc_permute()(xt, rank.reshape(_NP))

    shp = jax.ShapeDtypeStruct((1, _NP), jnp.float32)
    o1, o2, o3, o4, o5 = pl.pallas_call(
        _nms_body,
        out_shape=[shp] * 5,
    )(xst)

    out = jnp.stack([o1.reshape(_NP), o2.reshape(_NP), o3.reshape(_NP),
                     o4.reshape(_NP), o5.reshape(_NP)], axis=1)
    return out[:n]

# --- scband reference (transcript-rebuilt; emitter-appended) ---
"""Pipeline reference for scband-faster-rcnn-32538672234526 (READ-ONLY COPY).

The authoritative reference and input builder live on the scoring server;
editing this copy changes nothing except your own understanding.
"""

import jax, jax.numpy as jnp
import numpy as np
from functools import partial

N = 5000
NMS_THRESH = 0.3
SCORE_THRESH = 0.05


def setup_inputs(seed: int = 0) -> dict:
    key = jax.random.key(seed)
    k1, k2, k3 = jax.random.split(key, 3)
    xy = jax.random.uniform(k1, (N, 2), jnp.float32, 0.0, 800.0)
    wh = jax.random.uniform(k2, (N, 2), jnp.float32, 10.0, 200.0)
    boxes = jnp.concatenate([xy, xy + wh], axis=1)  # (x1, y1, x2, y2), valid boxes
    scores = jax.random.uniform(k3, (N,), jnp.float32, 0.0, 1.0)
    return {"boxes": boxes, "scores": scores}


def pairwise_iou(boxes):
    # boxes: [N, 4] as (x1, y1, x2, y2)
    tl = jnp.maximum(boxes[:, None, :2], boxes[None, :, :2])  # [N, N, 2]
    br = jnp.minimum(boxes[:, None, 2:], boxes[None, :, 2:])  # [N, N, 2]
    wh = jnp.clip(br - tl, 0.0)
    inter = wh[..., 0] * wh[..., 1]                            # [N, N]
    area = (boxes[:, 2] - boxes[:, 0]) * (boxes[:, 3] - boxes[:, 1])
    union = area[:, None] + area[None, :] - inter
    return inter / jnp.maximum(union, 1e-9)


def reference(boxes, scores):
    # Faithful jax version of FasterRCNN._suppress for one class channel:
    #   1) score-threshold mask  2) sort by score desc  3) greedy NMS keep
    n = boxes.shape[0]
    order = jnp.argsort(-scores)            # descending score order
    boxes_s = jnp.take(boxes, order, axis=0)
    scores_s = jnp.take(scores, order)

    iou = pairwise_iou(boxes_s)             # [N, N] dense IoU matrix (compute-heavy)
    valid = scores_s > SCORE_THRESH

    idx = jnp.arange(n)

    def body(i, keep):
        suppress = (iou[i] > NMS_THRESH) & (idx > i)
        return jnp.where(keep[i], keep & ~suppress, keep)

    keep = jax.lax.fori_loop(0, n, body, valid)  # greedy NMS, score-sorted order
    keepf = keep.astype(boxes.dtype)

    kept_boxes = boxes_s * keepf[:, None]
    kept_scores = scores_s * keepf
    out = jnp.concatenate([kept_boxes, kept_scores[:, None]], axis=1)  # [N, 5]
    return out

if __name__ == "__main__":
    import jax
    _d = setup_inputs()
    print(jax.jit(kernel)(*tuple(_d.values())))

</pallas_src>

<mosaic_0001>
#map = affine_map<(d0, d1) -> (0, 0)>
#map1 = affine_map<(d0, d1) -> (0)>
module attributes {stable_mosaic.version = 14 : i64} {
  func.func @_sc_permute_body(%arg0: i32, %arg1: i32, %arg2: memref<5120x16xf32, #tpu.memory_space<hbm>>, %arg3: memref<5120xi32, #tpu.memory_space<hbm>>, %arg4: memref<5120x16xf32, #tpu.memory_space<hbm>>, %arg5: memref<80xi32, #tpu.memory_space<vmem>>, %arg6: memref<80xi32, #tpu.memory_space<vmem>>, %arg7: memref<80x16xf32, #tpu.memory_space<vmem>>, %arg8: memref<80x16xf32, #tpu.memory_space<vmem>>, %arg9: memref<!tpu.dma_semaphore, #tpu.memory_space<semaphore_mem>>) attributes {dimension_semantics = [#tpu.dimension_semantics<core_parallel>, #tpu.dimension_semantics<subcore_parallel>], iteration_bounds = array<i64: 2, 16>, scalar_prefetch = 0 : i64, scratch_operands = 5 : i64, tpu.core_type = #tpu.core_type<sc_vector_subcore>, window_params = [{transform_indices = #map}, {transform_indices = #map1}, {transform_indices = #map}]} {
    %mul3A = arith.constant 2 : i32
    %mul3A_0 = arith.muli %arg1, %mul3A : i32
    %add3A = arith.addi %mul3A_0, %arg0 : i32
    %mul3A_1 = arith.constant 160 : i32
    %mul3A_2 = arith.muli %add3A, %mul3A_1 : i32
    "tpu.region"() ({
      %run_scoped3A = tpu.sem_alloc : memref<!tpu.dma_semaphore, #tpu.memory_space<semaphore_mem>>
      %dma_start3A_17 = tpu.memref_slice %arg3[%mul3A_2] : memref<5120xi32, #tpu.memory_space<hbm>> -> memref<80xi32, #tpu.memory_space<hbm>>
      %dma_start3A_18 = tpu.memref_slice %arg3[%mul3A_2] : memref<5120xi32, #tpu.memory_space<hbm>> -> memref<80xi32, #tpu.memory_space<hbm>>
      tpu.enqueue_dma source(%dma_start3A_18 : memref<80xi32, #tpu.memory_space<hbm>>) target(%arg5 : memref<80xi32, #tpu.memory_space<vmem>>) target_semaphore(%run_scoped3A : memref<!tpu.dma_semaphore, #tpu.memory_space<semaphore_mem>>)
      %dma_wait3A_19 = tpu.memref_slice %arg3[%mul3A_2] : memref<5120xi32, #tpu.memory_space<hbm>> -> memref<80xi32, #tpu.memory_space<hbm>>
      %dma_wait3A_20 = tpu.memref_slice %arg3[%mul3A_2] : memref<5120xi32, #tpu.memory_space<hbm>> -> memref<80xi32, #tpu.memory_space<hbm>>
      tpu.wait_dma2 semaphore(%run_scoped3A : memref<!tpu.dma_semaphore, #tpu.memory_space<semaphore_mem>>) src(%dma_wait3A_20 : memref<80xi32, #tpu.memory_space<hbm>>) dst(%arg5 : memref<80xi32, #tpu.memory_space<vmem>>)
      tpu.yield
    }) : () -> ()
    %add3A_3 = arith.constant 80 : i32
    %add3A_4 = arith.addi %mul3A_2, %add3A_3 : i32
    "tpu.region"() ({
      %run_scoped3A = tpu.sem_alloc : memref<!tpu.dma_semaphore, #tpu.memory_space<semaphore_mem>>
      %dma_start3A_17 = tpu.memref_slice %arg3[%add3A_4] : memref<5120xi32, #tpu.memory_space<hbm>> -> memref<80xi32, #tpu.memory_space<hbm>>
      %dma_start3A_18 = tpu.memref_slice %arg3[%add3A_4] : memref<5120xi32, #tpu.memory_space<hbm>> -> memref<80xi32, #tpu.memory_space<hbm>>
      tpu.enqueue_dma source(%dma_start3A_18 : memref<80xi32, #tpu.memory_space<hbm>>) target(%arg6 : memref<80xi32, #tpu.memory_space<vmem>>) target_semaphore(%run_scoped3A : memref<!tpu.dma_semaphore, #tpu.memory_space<semaphore_mem>>)
      %dma_wait3A_19 = tpu.memref_slice %arg3[%add3A_4] : memref<5120xi32, #tpu.memory_space<hbm>> -> memref<80xi32, #tpu.memory_space<hbm>>
      %dma_wait3A_20 = tpu.memref_slice %arg3[%add3A_4] : memref<5120xi32, #tpu.memory_space<hbm>> -> memref<80xi32, #tpu.memory_space<hbm>>
      tpu.wait_dma2 semaphore(%run_scoped3A : memref<!tpu.dma_semaphore, #tpu.memory_space<semaphore_mem>>) src(%dma_wait3A_20 : memref<80xi32, #tpu.memory_space<hbm>>) dst(%arg6 : memref<80xi32, #tpu.memory_space<vmem>>)
      tpu.yield
    }) : () -> ()
    "tpu.region"() ({
      %run_scoped3A = tpu.sem_alloc : memref<!tpu.dma_semaphore, #tpu.memory_space<semaphore_mem>>
      %dma_start3A_17 = arith.constant 0 : i32
      %dma_start3A_18 = tpu.memref_slice %arg2[%mul3A_2, %dma_start3A_17] : memref<5120x16xf32, #tpu.memory_space<hbm>> -> memref<80x16xf32, #tpu.memory_space<hbm>>
      %dma_start3A_19 = arith.constant 0 : i32
      %dma_start3A_20 = tpu.memref_slice %arg2[%mul3A_2, %dma_start3A_19] : memref<5120x16xf32, #tpu.memory_space<hbm>> -> memref<80x16xf32, #tpu.memory_space<hbm>>
      tpu.enqueue_dma source(%dma_start3A_20 : memref<80x16xf32, #tpu.memory_space<hbm>>) target(%arg7 : memref<80x16xf32, #tpu.memory_space<vmem>>) target_semaphore(%run_scoped3A : memref<!tpu.dma_semaphore, #tpu.memory_space<semaphore_mem>>)
      %dma_wait3A_21 = arith.constant 0 : i32
      %dma_wait3A_22 = tpu.memref_slice %arg2[%mul3A_2, %dma_wait3A_21] : memref<5120x16xf32, #tpu.memory_space<hbm>> -> memref<80x16xf32, #tpu.memory_space<hbm>>
      %dma_wait3A_23 = arith.constant 0 : i32
      %dma_wait3A_24 = tpu.memref_slice %arg2[%mul3A_2, %dma_wait3A_23] : memref<5120x16xf32, #tpu.memory_space<hbm>> -> memref<80x16xf32, #tpu.memory_space<hbm>>
      tpu.wait_dma2 semaphore(%run_scoped3A : memref<!tpu.dma_semaphore, #tpu.memory_space<semaphore_mem>>) src(%dma_wait3A_24 : memref<80x16xf32, #tpu.memory_space<hbm>>) dst(%arg7 : memref<80x16xf32, #tpu.memory_space<vmem>>)
      tpu.yield
    }) : () -> ()
    %add3A_5 = arith.constant 80 : i32
    %add3A_6 = arith.addi %mul3A_2, %add3A_5 : i32
    "tpu.region"() ({
      %run_scoped3A = tpu.sem_alloc : memref<!tpu.dma_semaphore, #tpu.memory_space<semaphore_mem>>
      %dma_start3A_17 = arith.constant 0 : i32
      %dma_start3A_18 = tpu.memref_slice %arg2[%add3A_6, %dma_start3A_17] : memref<5120x16xf32, #tpu.memory_space<hbm>> -> memref<80x16xf32, #tpu.memory_space<hbm>>
      %dma_start3A_19 = arith.constant 0 : i32
      %dma_start3A_20 = tpu.memref_slice %arg2[%add3A_6, %dma_start3A_19] : memref<5120x16xf32, #tpu.memory_space<hbm>> -> memref<80x16xf32, #tpu.memory_space<hbm>>
      tpu.enqueue_dma source(%dma_start3A_20 : memref<80x16xf32, #tpu.memory_space<hbm>>) target(%arg8 : memref<80x16xf32, #tpu.memory_space<vmem>>) target_semaphore(%run_scoped3A : memref<!tpu.dma_semaphore, #tpu.memory_space<semaphore_mem>>)
      %dma_wait3A_21 = arith.constant 0 : i32
      %dma_wait3A_22 = tpu.memref_slice %arg2[%add3A_6, %dma_wait3A_21] : memref<5120x16xf32, #tpu.memory_space<hbm>> -> memref<80x16xf32, #tpu.memory_space<hbm>>
      %dma_wait3A_23 = arith.constant 0 : i32
      %dma_wait3A_24 = tpu.memref_slice %arg2[%add3A_6, %dma_wait3A_23] : memref<5120x16xf32, #tpu.memory_space<hbm>> -> memref<80x16xf32, #tpu.memory_space<hbm>>
      tpu.wait_dma2 semaphore(%run_scoped3A : memref<!tpu.dma_semaphore, #tpu.memory_space<semaphore_mem>>) src(%dma_wait3A_24 : memref<80x16xf32, #tpu.memory_space<hbm>>) dst(%arg8 : memref<80x16xf32, #tpu.memory_space<vmem>>)
      tpu.yield
    }) : () -> ()
    %dma_start3A = arith.constant 0 : i32
    %dma_start3A_7 = arith.constant 0 : i32
    %dma_start3A_8 = tpu.memref_slice %arg4[%dma_start3A, %dma_start3A_7] : memref<5120x16xf32, #tpu.memory_space<hbm>> -> memref<5120x16xf32, #tpu.memory_space<hbm>>
    tpu.enqueue_indirect_dma source(%arg7 : memref<80x16xf32, #tpu.memory_space<vmem>>) target(%dma_start3A_8 : memref<5120x16xf32, #tpu.memory_space<hbm>>) offsets(%arg5 : memref<80xi32, #tpu.memory_space<vmem>>) semaphore(%arg9 : memref<!tpu.dma_semaphore, #tpu.memory_space<semaphore_mem>>)
    %dma_wait3A = arith.constant 0 : i32
    %dma_wait3A_9 = arith.constant 0 : i32
    %dma_wait3A_10 = tpu.memref_slice %arg4[%dma_wait3A, %dma_wait3A_9] : memref<5120x16xf32, #tpu.memory_space<hbm>> -> memref<5120x16xf32, #tpu.memory_space<hbm>>
    tpu.wait_indirect_dma semaphore(%arg9 : memref<!tpu.dma_semaphore, #tpu.memory_space<semaphore_mem>>) src(%arg7 : memref<80x16xf32, #tpu.memory_space<vmem>>) dst(%dma_wait3A_10 : memref<5120x16xf32, #tpu.memory_space<hbm>>)
    %dma_start3A_11 = arith.constant 0 : i32
    %dma_start3A_12 = arith.constant 0 : i32
    %dma_start3A_13 = tpu.memref_slice %arg4[%dma_start3A_11, %dma_start3A_12] : memref<5120x16xf32, #tpu.memory_space<hbm>> -> memref<5120x16xf32, #tpu.memory_space<hbm>>
    tpu.enqueue_indirect_dma source(%arg8 : memref<80x16xf32, #tpu.memory_space<vmem>>) target(%dma_start3A_13 : memref<5120x16xf32, #tpu.memory_space<hbm>>) offsets(%arg6 : memref<80xi32, #tpu.memory_space<vmem>>) semaphore(%arg9 : memref<!tpu.dma_semaphore, #tpu.memory_space<semaphore_mem>>)
    %dma_wait3A_14 = arith.constant 0 : i32
    %dma_wait3A_15 = arith.constant 0 : i32
    %dma_wait3A_16 = tpu.memref_slice %arg4[%dma_wait3A_14, %dma_wait3A_15] : memref<5120x16xf32, #tpu.memory_space<hbm>> -> memref<5120x16xf32, #tpu.memory_space<hbm>>
    tpu.wait_indirect_dma semaphore(%arg9 : memref<!tpu.dma_semaphore, #tpu.memory_space<semaphore_mem>>) src(%arg8 : memref<80x16xf32, #tpu.memory_space<vmem>>) dst(%dma_wait3A_16 : memref<5120x16xf32, #tpu.memory_space<hbm>>)
    return
  }
}

module attributes {stable_mosaic.version = 14 : i64} {
  func.func @_rank_body(%arg0: memref<5120x1xf32, #tpu.memory_space<vmem>>, %arg1: memref<1x5120xf32, #tpu.memory_space<vmem>>, %arg2: memref<5120x1xi32, #tpu.memory_space<vmem>>) attributes {dimension_semantics = [], scalar_prefetch = 0 : i64, scratch_operands = 0 : i64, tpu.core_type = #tpu.core_type<tc>} {
    %get3A = arith.constant 0 : index
    %get3A_0 = arith.constant 0 : index
    %get3A_1 = vector.load %arg1[%get3A, %get3A_0] : memref<1x5120xf32, #tpu.memory_space<vmem>>, vector<1x5120xf32>
    %iota3A = tpu.iota {dimensions = array<i32: 1>} : vector<1x5120xi32>
    %convert_element_type3A = arith.sitofp %iota3A : vector<1x5120xi32> to vector<1x5120xf32>
    %get3A_2 = arith.constant 0 : index
    %get3A_3 = arith.constant 0 : index
    %get3A_4 = vector.load %arg0[%get3A_2, %get3A_3] : memref<5120x1xf32, #tpu.memory_space<vmem>>, vector<640x1xf32>
    %iota3A_5 = tpu.iota {dimensions = array<i32: 0>} : vector<640x1xi32>
    %convert_element_type3A_6 = arith.sitofp %iota3A_5 : vector<640x1xi32> to vector<640x1xf32>
    %add3A = arith.constant 0.000000e+00 : f32
    %add3A_7 = vector.broadcast %add3A : f32 to vector<640x1xf32>
    %add3A_8 = arith.addf %convert_element_type3A_6, %add3A_7 : vector<640x1xf32>
    %gt3A = vector.broadcast %get3A_1 : vector<1x5120xf32> to vector<640x5120xf32>
    %gt3A_9 = vector.broadcast %get3A_4 : vector<640x1xf32> to vector<640x5120xf32>
    %gt3A_10 = arith.cmpf ogt, %gt3A, %gt3A_9 : vector<640x5120xf32>
    %eq3A = vector.broadcast %get3A_1 : vector<1x5120xf32> to vector<640x5120xf32>
    %eq3A_11 = vector.broadcast %get3A_4 : vector<640x1xf32> to vector<640x5120xf32>
    %eq3A_12 = arith.cmpf oeq, %eq3A, %eq3A_11 : vector<640x5120xf32>
    %lt3A = vector.broadcast %convert_element_type3A : vector<1x5120xf32> to vector<640x5120xf32>
    %lt3A_13 = vector.broadcast %add3A_8 : vector<640x1xf32> to vector<640x5120xf32>
    %lt3A_14 = arith.cmpf olt, %lt3A, %lt3A_13 : vector<640x5120xf32>
    %and3A = arith.andi %eq3A_12, %lt3A_14 : vector<640x5120xi1>
    %or3A = arith.ori %gt3A_10, %and3A : vector<640x5120xi1>
    %convert_element_type3A_15 = arith.extui %or3A : vector<640x5120xi1> to vector<640x5120xi32>
    %convert_element_type3A_16 = arith.sitofp %convert_element_type3A_15 : vector<640x5120xi32> to vector<640x5120xf32>
    %reduce_sum3A = arith.constant dense<0.000000e+00> : vector<640xf32>
    %reduce_sum3A_17 = vector.multi_reduction <add>, %convert_element_type3A_16, %reduce_sum3A [1] : vector<640x5120xf32> to vector<640xf32>
    %broadcast_in_dim3A = vector.shape_cast %reduce_sum3A_17 : vector<640xf32> to vector<640x1xf32>
    %convert_element_type3A_18 = arith.fptosi %broadcast_in_dim3A : vector<640x1xf32> to vector<640x1xi32>
    %swap3A = arith.constant 0 : index
    %swap3A_19 = arith.constant 0 : index
    %swap3A_20 = vector.load %arg2[%swap3A, %swap3A_19] : memref<5120x1xi32, #tpu.memory_space<vmem>>, vector<640x1xi32>
    tpu.vector_store %arg2[%swap3A, %swap3A_19], %convert_element_type3A_18 {strides = array<i32>} : memref<5120x1xi32, #tpu.memory_space<vmem>>, vector<640x1xi32>,
    %get3A_21 = arith.constant 640 : index
    %get3A_22 = arith.constant 0 : index
    %get3A_23 = vector.load %arg0[%get3A_21, %get3A_22] : memref<5120x1xf32, #tpu.memory_space<vmem>>, vector<640x1xf32>
    %iota3A_24 = tpu.iota {dimensions = array<i32: 0>} : vector<640x1xi32>
    %convert_element_type3A_25 = arith.sitofp %iota3A_24 : vector<640x1xi32> to vector<640x1xf32>
    %add3A_26 = arith.constant 6.400000e+02 : f32
    %add3A_27 = vector.broadcast %add3A_26 : f32 to vector<640x1xf32>
    %add3A_28 = arith.addf %convert_element_type3A_25, %add3A_27 : vector<640x1xf32>
    %gt3A_29 = vector.broadcast %get3A_1 : vector<1x5120xf32> to vector<640x5120xf32>
    %gt3A_30 = vector.broadcast %get3A_23 : vector<640x1xf32> to vector<640x5120xf32>
    %gt3A_31 = arith.cmpf ogt, %gt3A_29, %gt3A_30 : vector<640x5120xf32>
    %eq3A_32 = vector.broadcast %get3A_1 : vector<1x5120xf32> to vector<640x5120xf32>
    %eq3A_33 = vector.broadcast %get3A_23 : vector<640x1xf32> to vector<640x5120xf32>
    %eq3A_34 = arith.cmpf oeq, %eq3A_32, %eq3A_33 : vector<640x5120xf32>
    %lt3A_35 = vector.broadcast %convert_element_type3A : vector<1x5120xf32> to vector<640x5120xf32>
    %lt3A_36 = vector.broadcast %add3A_28 : vector<640x1xf32> to vector<640x5120xf32>
    %lt3A_37 = arith.cmpf olt, %lt3A_35, %lt3A_36 : vector<640x5120xf32>
    %and3A_38 = arith.andi %eq3A_34, %lt3A_37 : vector<640x5120xi1>
    %or3A_39 = arith.ori %gt3A_31, %and3A_38 : vector<640x5120xi1>
    %convert_element_type3A_40 = arith.extui %or3A_39 : vector<640x5120xi1> to vector<640x5120xi32>
    %convert_element_type3A_41 = arith.sitofp %convert_element_type3A_40 : vector<640x5120xi32> to vector<640x5120xf32>
    %reduce_sum3A_42 = arith.constant dense<0.000000e+00> : vector<640xf32>
    %reduce_sum3A_43 = vector.multi_reduction <add>, %convert_element_type3A_41, %reduce_sum3A_42 [1] : vector<640x5120xf32> to vector<640xf32>
    %broadcast_in_dim3A_44 = vector.shape_cast %reduce_sum3A_43 : vector<640xf32> to vector<640x1xf32>
    %convert_element_type3A_45 = arith.fptosi %broadcast_in_dim3A_44 : vector<640x1xf32> to vector<640x1xi32>
    %swap3A_46 = arith.constant 640 : index
    %swap3A_47 = arith.constant 0 : index
    %swap3A_48 = vector.load %arg2[%swap3A_46, %swap3A_47] : memref<5120x1xi32, #tpu.memory_space<vmem>>, vector<640x1xi32>
    tpu.vector_store %arg2[%swap3A_46, %swap3A_47], %convert_element_type3A_45 {strides = array<i32>} : memref<5120x1xi32, #tpu.memory_space<vmem>>, vector<640x1xi32>,
    %get3A_49 = arith.constant 1280 : index
    %get3A_50 = arith.constant 0 : index
    %get3A_51 = vector.load %arg0[%get3A_49, %get3A_50] : memref<5120x1xf32, #tpu.memory_space<vmem>>, vector<640x1xf32>
    %iota3A_52 = tpu.iota {dimensions = array<i32: 0>} : vector<640x1xi32>
    %convert_element_type3A_53 = arith.sitofp %iota3A_52 : vector<640x1xi32> to vector<640x1xf32>
    %add3A_54 = arith.constant 1.280000e+03 : f32
    %add3A_55 = vector.broadcast %add3A_54 : f32 to vector<640x1xf32>
    %add3A_56 = arith.addf %convert_element_type3A_53, %add3A_55 : vector<640x1xf32>
    %gt3A_57 = vector.broadcast %get3A_1 : vector<1x5120xf32> to vector<640x5120xf32>
    %gt3A_58 = vector.broadcast %get3A_51 : vector<640x1xf32> to vector<640x5120xf32>
    %gt3A_59 = arith.cmpf ogt, %gt3A_57, %gt3A_58 : vector<640x5120xf32>
    %eq3A_60 = vector.broadcast %get3A_1 : vector<1x5120xf32> to vector<640x5120xf32>
    %eq3A_61 = vector.broadcast %get3A_51 : vector<640x1xf32> to vector<640x5120xf32>
    %eq3A_62 = arith.cmpf oeq, %eq3A_60, %eq3A_61 : vector<640x5120xf32>
    %lt3A_63 = vector.broadcast %convert_element_type3A : vector<1x5120xf32> to vector<640x5120xf32>
    %lt3A_64 = vector.broadcast %add3A_56 : vector<640x1xf32> to vector<640x5120xf32>
    %lt3A_65 = arith.cmpf olt, %lt3A_63, %lt3A_64 : vector<640x5120xf32>
    %and3A_66 = arith.andi %eq3A_62, %lt3A_65 : vector<640x5120xi1>
    %or3A_67 = arith.ori %gt3A_59, %and3A_66 : vector<640x5120xi1>
    %convert_element_type3A_68 = arith.extui %or3A_67 : vector<640x5120xi1> to vector<640x5120xi32>
    %convert_element_type3A_69 = arith.sitofp %convert_element_type3A_68 : vector<640x5120xi32> to vector<640x5120xf32>
    %reduce_sum3A_70 = arith.constant dense<0.000000e+00> : vector<640xf32>
    %reduce_sum3A_71 = vector.multi_reduction <add>, %convert_element_type3A_69, %reduce_sum3A_70 [1] : vector<640x5120xf32> to vector<640xf32>
    %broadcast_in_dim3A_72 = vector.shape_cast %reduce_sum3A_71 : vector<640xf32> to vector<640x1xf32>
    %convert_element_type3A_73 = arith.fptosi %broadcast_in_dim3A_72 : vector<640x1xf32> to vector<640x1xi32>
    %swap3A_74 = arith.constant 1280 : index
    %swap3A_75 = arith.constant 0 : index
    %swap3A_76 = vector.load %arg2[%swap3A_74, %swap3A_75] : memref<5120x1xi32, #tpu.memory_space<vmem>>, vector<640x1xi32>
    tpu.vector_store %arg2[%swap3A_74, %swap3A_75], %convert_element_type3A_73 {strides = array<i32>} : memref<5120x1xi32, #tpu.memory_space<vmem>>, vector<640x1xi32>,
    %get3A_77 = arith.constant 1920 : index
    %get3A_78 = arith.constant 0 : index
    %get3A_79 = vector.load %arg0[%get3A_77, %get3A_78] : memref<5120x1xf32, #tpu.memory_space<vmem>>, vector<640x1xf32>
    %iota3A_80 = tpu.iota {dimensions = array<i32: 0>} : vector<640x1xi32>
    %convert_element_type3A_81 = arith.sitofp %iota3A_80 : vector<640x1xi32> to vector<640x1xf32>
    %add3A_82 = arith.constant 1.920000e+03 : f32
    %add3A_83 = vector.broadcast %add3A_82 : f32 to vector<640x1xf32>
    %add3A_84 = arith.addf %convert_element_type3A_81, %add3A_83 : vector<640x1xf32>
    %gt3A_85 = vector.broadcast %get3A_1 : vector<1x5120xf32> to vector<640x5120xf32>
    %gt3A_86 = vector.broadcast %get3A_79 : vector<640x1xf32> to vector<640x5120xf32>
    %gt3A_87 = arith.cmpf ogt, %gt3A_85, %gt3A_86 : vector<640x5120xf32>
    %eq3A_88 = vector.broadcast %get3A_1 : vector<1x5120xf32> to vector<640x5120xf32>
    %eq3A_89 = vector.broadcast %get3A_79 : vector<640x1xf32> to vector<640x5120xf32>
    %eq3A_90 = arith.cmpf oeq, %eq3A_88, %eq3A_89 : vector<640x5120xf32>
    %lt3A_91 = vector.broadcast %convert_element_type3A : vector<1x5120xf32> to vector<640x5120xf32>
    %lt3A_92 = vector.broadcast %add3A_84 : vector<640x1xf32> to vector<640x5120xf32>
    %lt3A_93 = arith.cmpf olt, %lt3A_91, %lt3A_92 : vector<640x5120xf32>
    %and3A_94 = arith.andi %eq3A_90, %lt3A_93 : vector<640x5120xi1>
    %or3A_95 = arith.ori %gt3A_87, %and3A_94 : vector<640x5120xi1>
    %convert_element_type3A_96 = arith.extui %or3A_95 : vector<640x5120xi1> to vector<640x5120xi32>
    %convert_element_type3A_97 = arith.sitofp %convert_element_type3A_96 : vector<640x5120xi32> to vector<640x5120xf32>
    %reduce_sum3A_98 = arith.constant dense<0.000000e+00> : vector<640xf32>
    %reduce_sum3A_99 = vector.multi_reduction <add>, %convert_element_type3A_97, %reduce_sum3A_98 [1] : vector<640x5120xf32> to vector<640xf32>
    %broadcast_in_dim3A_100 = vector.shape_cast %reduce_sum3A_99 : vector<640xf32> to vector<640x1xf32>
    %convert_element_type3A_101 = arith.fptosi %broadcast_in_dim3A_100 : vector<640x1xf32> to vector<640x1xi32>
    %swap3A_102 = arith.constant 1920 : index
    %swap3A_103 = arith.constant 0 : index
    %swap3A_104 = vector.load %arg2[%swap3A_102, %swap3A_103] : memref<5120x1xi32, #tpu.memory_space<vmem>>, vector<640x1xi32>
    tpu.vector_store %arg2[%swap3A_102, %swap3A_103], %convert_element_type3A_101 {strides = array<i32>} : memref<5120x1xi32, #tpu.memory_space<vmem>>, vector<640x1xi32>,
    %get3A_105 = arith.constant 2560 : index
    %get3A_106 = arith.constant 0 : index
    %get3A_107 = vector.load %arg0[%get3A_105, %get3A_106] : memref<5120x1xf32, #tpu.memory_space<vmem>>, vector<640x1xf32>
    %iota3A_108 = tpu.iota {dimensions = array<i32: 0>} : vector<640x1xi32>
    %convert_element_type3A_109 = arith.sitofp %iota3A_108 : vector<640x1xi32> to vector<640x1xf32>
    %add3A_110 = arith.constant 2.560000e+03 : f32
    %add3A_111 = vector.broadcast %add3A_110 : f32 to vector<640x1xf32>
    %add3A_112 = arith.addf %convert_element_type3A_109, %add3A_111 : vector<640x1xf32>
    %gt3A_113 = vector.broadcast %get3A_1 : vector<1x5120xf32> to vector<640x5120xf32>
    %gt3A_114 = vector.broadcast %get3A_107 : vector<640x1xf32> to vector<640x5120xf32>
    %gt3A_115 = arith.cmpf ogt, %gt3A_113, %gt3A_114 : vector<640x5120xf32>
    %eq3A_116 = vector.broadcast %get3A_1 : vector<1x5120xf32> to vector<640x5120xf32>
    %eq3A_117 = vector.broadcast %get3A_107 : vector<640x1xf32> to vector<640x5120xf32>
    %eq3A_118 = arith.cmpf oeq, %eq3A_116, %eq3A_117 : vector<640x5120xf32>
    %lt3A_119 = vector.broadcast %convert_element_type3A : vector<1x5120xf32> to vector<640x5120xf32>
    %lt3A_120 = vector.broadcast %add3A_112 : vector<640x1xf32> to vector<640x5120xf32>
    %lt3A_121 = arith.cmpf olt, %lt3A_119, %lt3A_120 : vector<640x5120xf32>
    %and3A_122 = arith.andi %eq3A_118, %lt3A_121 : vector<640x5120xi1>
    %or3A_123 = arith.ori %gt3A_115, %and3A_122 : vector<640x5120xi1>
    %convert_element_type3A_124 = arith.extui %or3A_123 : vector<640x5120xi1> to vector<640x5120xi32>
    %convert_element_type3A_125 = arith.sitofp %convert_element_type3A_124 : vector<640x5120xi32> to vector<640x5120xf32>
    %reduce_sum3A_126 = arith.constant dense<0.000000e+00> : vector<640xf32>
    %reduce_sum3A_127 = vector.multi_reduction <add>, %convert_element_type3A_125, %reduce_sum3A_126 [1] : vector<640x5120xf32> to vector<640xf32>
    %broadcast_in_dim3A_128 = vector.shape_cast %reduce_sum3A_127 : vector<640xf32> to vector<640x1xf32>
    %convert_element_type3A_129 = arith.fptosi %broadcast_in_dim3A_128 : vector<640x1xf32> to vector<640x1xi32>
    %swap3A_130 = arith.constant 2560 : index
    %swap3A_131 = arith.constant 0 : index
    %swap3A_132 = vector.load %arg2[%swap3A_130, %swap3A_131] : memref<5120x1xi32, #tpu.memory_space<vmem>>, vector<640x1xi32>
    tpu.vector_store %arg2[%swap3A_130, %swap3A_131], %convert_element_type3A_129 {strides = array<i32>} : memref<5120x1xi32, #tpu.memory_space<vmem>>, vector<640x1xi32>,
    %get3A_133 = arith.constant 3200 : index
    %get3A_134 = arith.constant 0 : index
    %get3A_135 = vector.load %arg0[%get3A_133, %get3A_134] : memref<5120x1xf32, #tpu.memory_space<vmem>>, vector<640x1xf32>
    %iota3A_136 = tpu.iota {dimensions = array<i32: 0>} : vector<640x1xi32>
    %convert_element_type3A_137 = arith.sitofp %iota3A_136 : vector<640x1xi32> to vector<640x1xf32>
    %add3A_138 = arith.constant 3.200000e+03 : f32
    %add3A_139 = vector.broadcast %add3A_138 : f32 to vector<640x1xf32>
    %add3A_140 = arith.addf %convert_element_type3A_137, %add3A_139 : vector<640x1xf32>
    %gt3A_141 = vector.broadcast %get3A_1 : vector<1x5120xf32> to vector<640x5120xf32>
    %gt3A_142 = vector.broadcast %get3A_135 : vector<640x1xf32> to vector<640x5120xf32>
    %gt3A_143 = arith.cmpf ogt, %gt3A_141, %gt3A_142 : vector<640x5120xf32>
    %eq3A_144 = vector.broadcast %get3A_1 : vector<1x5120xf32> to vector<640x5120xf32>
    %eq3A_145 = vector.broadcast %get3A_135 : vector<640x1xf32> to vector<640x5120xf32>
    %eq3A_146 = arith.cmpf oeq, %eq3A_144, %eq3A_145 : vector<640x5120xf32>
    %lt3A_147 = vector.broadcast %convert_element_type3A : vector<1x5120xf32> to vector<640x5120xf32>
    %lt3A_148 = vector.broadcast %add3A_140 : vector<640x1xf32> to vector<640x5120xf32>
    %lt3A_149 = arith.cmpf olt, %lt3A_147, %lt3A_148 : vector<640x5120xf32>
    %and3A_150 = arith.andi %eq3A_146, %lt3A_149 : vector<640x5120xi1>
    %or3A_151 = arith.ori %gt3A_143, %and3A_150 : vector<640x5120xi1>
    %convert_element_type3A_152 = arith.extui %or3A_151 : vector<640x5120xi1> to vector<640x5120xi32>
    %convert_element_type3A_153 = arith.sitofp %convert_element_type3A_152 : vector<640x5120xi32> to vector<640x5120xf32>
    %reduce_sum3A_154 = arith.constant dense<0.000000e+00> : vector<640xf32>
    %reduce_sum3A_155 = vector.multi_reduction <add>, %convert_element_type3A_153, %reduce_sum3A_154 [1] : vector<640x5120xf32> to vector<640xf32>
    %broadcast_in_dim3A_156 = vector.shape_cast %reduce_sum3A_155 : vector<640xf32> to vector<640x1xf32>
    %convert_element_type3A_157 = arith.fptosi %broadcast_in_dim3A_156 : vector<640x1xf32> to vector<640x1xi32>
    %swap3A_158 = arith.constant 3200 : index
    %swap3A_159 = arith.constant 0 : index
    %swap3A_160 = vector.load %arg2[%swap3A_158, %swap3A_159] : memref<5120x1xi32, #tpu.memory_space<vmem>>, vector<640x1xi32>
    tpu.vector_store %arg2[%swap3A_158, %swap3A_159], %convert_element_type3A_157 {strides = array<i32>} : memref<5120x1xi32, #tpu.memory_space<vmem>>, vector<640x1xi32>,
    %get3A_161 = arith.constant 3840 : index
    %get3A_162 = arith.constant 0 : index
    %get3A_163 = vector.load %arg0[%get3A_161, %get3A_162] : memref<5120x1xf32, #tpu.memory_space<vmem>>, vector<640x1xf32>
    %iota3A_164 = tpu.iota {dimensions = array<i32: 0>} : vector<640x1xi32>
    %convert_element_type3A_165 = arith.sitofp %iota3A_164 : vector<640x1xi32> to vector<640x1xf32>
    %add3A_166 = arith.constant 3.840000e+03 : f32
    %add3A_167 = vector.broadcast %add3A_166 : f32 to vector<640x1xf32>
    %add3A_168 = arith.addf %convert_element_type3A_165, %add3A_167 : vector<640x1xf32>
    %gt3A_169 = vector.broadcast %get3A_1 : vector<1x5120xf32> to vector<640x5120xf32>
    %gt3A_170 = vector.broadcast %get3A_163 : vector<640x1xf32> to vector<640x5120xf32>
    %gt3A_171 = arith.cmpf ogt, %gt3A_169, %gt3A_170 : vector<640x5120xf32>
    %eq3A_172 = vector.broadcast %get3A_1 : vector<1x5120xf32> to vector<640x5120xf32>
    %eq3A_173 = vector.broadcast %get3A_163 : vector<640x1xf32> to vector<640x5120xf32>
    %eq3A_174 = arith.cmpf oeq, %eq3A_172, %eq3A_173 : vector<640x5120xf32>
    %lt3A_175 = vector.broadcast %convert_element_type3A : vector<1x5120xf32> to vector<640x5120xf32>
    %lt3A_176 = vector.broadcast %add3A_168 : vector<640x1xf32> to vector<640x5120xf32>
    %lt3A_177 = arith.cmpf olt, %lt3A_175, %lt3A_176 : vector<640x5120xf32>
    %and3A_178 = arith.andi %eq3A_174, %lt3A_177 : vector<640x5120xi1>
    %or3A_179 = arith.ori %gt3A_171, %and3A_178 : vector<640x5120xi1>
    %convert_element_type3A_180 = arith.extui %or3A_179 : vector<640x5120xi1> to vector<640x5120xi32>
    %convert_element_type3A_181 = arith.sitofp %convert_element_type3A_180 : vector<640x5120xi32> to vector<640x5120xf32>
    %reduce_sum3A_182 = arith.constant dense<0.000000e+00> : vector<640xf32>
    %reduce_sum3A_183 = vector.multi_reduction <add>, %convert_element_type3A_181, %reduce_sum3A_182 [1] : vector<640x5120xf32> to vector<640xf32>
    %broadcast_in_dim3A_184 = vector.shape_cast %reduce_sum3A_183 : vector<640xf32> to vector<640x1xf32>
    %convert_element_type3A_185 = arith.fptosi %broadcast_in_dim3A_184 : vector<640x1xf32> to vector<640x1xi32>
    %swap3A_186 = arith.constant 3840 : index
    %swap3A_187 = arith.constant 0 : index
    %swap3A_188 = vector.load %arg2[%swap3A_186, %swap3A_187] : memref<5120x1xi32, #tpu.memory_space<vmem>>, vector<640x1xi32>
    tpu.vector_store %arg2[%swap3A_186, %swap3A_187], %convert_element_type3A_185 {strides = array<i32>} : memref<5120x1xi32, #tpu.memory_space<vmem>>, vector<640x1xi32>,
    %get3A_189 = arith.constant 4480 : index
    %get3A_190 = arith.constant 0 : index
    %get3A_191 = vector.load %arg0[%get3A_189, %get3A_190] : memref<5120x1xf32, #tpu.memory_space<vmem>>, vector<640x1xf32>
    %iota3A_192 = tpu.iota {dimensions = array<i32: 0>} : vector<640x1xi32>
    %convert_element_type3A_193 = arith.sitofp %iota3A_192 : vector<640x1xi32> to vector<640x1xf32>
    %add3A_194 = arith.constant 4.480000e+03 : f32
    %add3A_195 = vector.broadcast %add3A_194 : f32 to vector<640x1xf32>
    %add3A_196 = arith.addf %convert_element_type3A_193, %add3A_195 : vector<640x1xf32>
    %gt3A_197 = vector.broadcast %get3A_1 : vector<1x5120xf32> to vector<640x5120xf32>
    %gt3A_198 = vector.broadcast %get3A_191 : vector<640x1xf32> to vector<640x5120xf32>
    %gt3A_199 = arith.cmpf ogt, %gt3A_197, %gt3A_198 : vector<640x5120xf32>
    %eq3A_200 = vector.broadcast %get3A_1 : vector<1x5120xf32> to vector<640x5120xf32>
    %eq3A_201 = vector.broadcast %get3A_191 : vector<640x1xf32> to vector<640x5120xf32>
    %eq3A_202 = arith.cmpf oeq, %eq3A_200, %eq3A_201 : vector<640x5120xf32>
    %lt3A_203 = vector.broadcast %convert_element_type3A : vector<1x5120xf32> to vector<640x5120xf32>
    %lt3A_204 = vector.broadcast %add3A_196 : vector<640x1xf32> to vector<640x5120xf32>
    %lt3A_205 = arith.cmpf olt, %lt3A_203, %lt3A_204 : vector<640x5120xf32>
    %and3A_206 = arith.andi %eq3A_202, %lt3A_205 : vector<640x5120xi1>
    %or3A_207 = arith.ori %gt3A_199, %and3A_206 : vector<640x5120xi1>
    %convert_element_type3A_208 = arith.extui %or3A_207 : vector<640x5120xi1> to vector<640x5120xi32>
    %convert_element_type3A_209 = arith.sitofp %convert_element_type3A_208 : vector<640x5120xi32> to vector<640x5120xf32>
    %reduce_sum3A_210 = arith.constant dense<0.000000e+00> : vector<640xf32>
    %reduce_sum3A_211 = vector.multi_reduction <add>, %convert_element_type3A_209, %reduce_sum3A_210 [1] : vector<640x5120xf32> to vector<640xf32>
    %broadcast_in_dim3A_212 = vector.shape_cast %reduce_sum3A_211 : vector<640xf32> to vector<640x1xf32>
    %convert_element_type3A_213 = arith.fptosi %broadcast_in_dim3A_212 : vector<640x1xf32> to vector<640x1xi32>
    %swap3A_214 = arith.constant 4480 : index
    %swap3A_215 = arith.constant 0 : index
    %swap3A_216 = vector.load %arg2[%swap3A_214, %swap3A_215] : memref<5120x1xi32, #tpu.memory_space<vmem>>, vector<640x1xi32>
    tpu.vector_store %arg2[%swap3A_214, %swap3A_215], %convert_element_type3A_213 {strides = array<i32>} : memref<5120x1xi32, #tpu.memory_space<vmem>>, vector<640x1xi32>,
    return
  }
}

module attributes {stable_mosaic.version = 14 : i64} {
  func.func @_nms_body(%arg0: memref<5120x16xf32, #tpu.memory_space<vmem>>, %arg1: memref<1x5120xf32, #tpu.memory_space<vmem>>, %arg2: memref<1x5120xf32, #tpu.memory_space<vmem>>, %arg3: memref<1x5120xf32, #tpu.memory_space<vmem>>, %arg4: memref<1x5120xf32, #tpu.memory_space<vmem>>, %arg5: memref<1x5120xf32, #tpu.memory_space<vmem>>) attributes {dimension_semantics = [], scalar_prefetch = 0 : i64, scratch_operands = 0 : i64, tpu.core_type = #tpu.core_type<tc>} {
    %get3A = arith.constant 0 : index
    %get3A_0 = arith.constant 0 : index
    %get3A_1 = vector.load %arg0[%get3A, %get3A_0] : memref<5120x16xf32, #tpu.memory_space<vmem>>, vector<640x16xf32>
    %transpose3A = tpu.transpose %get3A_1, [1, 0] : vector<640x16xf32> -> vector<16x640xf32>
    %slice3A = vector.extract_strided_slice %transpose3A {offsets = [0, 0], sizes = [1, 640], strides = [1, 1]} : vector<16x640xf32> to vector<1x640xf32>
    %slice3A_2 = vector.extract_strided_slice %transpose3A {offsets = [1, 0], sizes = [1, 640], strides = [1, 1]} : vector<16x640xf32> to vector<1x640xf32>
    %slice3A_3 = vector.extract_strided_slice %transpose3A {offsets = [2, 0], sizes = [1, 640], strides = [1, 1]} : vector<16x640xf32> to vector<1x640xf32>
    %slice3A_4 = vector.extract_strided_slice %transpose3A {offsets = [3, 0], sizes = [1, 640], strides = [1, 1]} : vector<16x640xf32> to vector<1x640xf32>
    %slice3A_5 = vector.extract_strided_slice %transpose3A {offsets = [4, 0], sizes = [1, 640], strides = [1, 1]} : vector<16x640xf32> to vector<1x640xf32>
    %get3A_6 = arith.constant 640 : index
    %get3A_7 = arith.constant 0 : index
    %get3A_8 = vector.load %arg0[%get3A_6, %get3A_7] : memref<5120x16xf32, #tpu.memory_space<vmem>>, vector<640x16xf32>
    %transpose3A_9 = tpu.transpose %get3A_8, [1, 0] : vector<640x16xf32> -> vector<16x640xf32>
    %slice3A_10 = vector.extract_strided_slice %transpose3A_9 {offsets = [0, 0], sizes = [1, 640], strides = [1, 1]} : vector<16x640xf32> to vector<1x640xf32>
    %slice3A_11 = vector.extract_strided_slice %transpose3A_9 {offsets = [1, 0], sizes = [1, 640], strides = [1, 1]} : vector<16x640xf32> to vector<1x640xf32>
    %slice3A_12 = vector.extract_strided_slice %transpose3A_9 {offsets = [2, 0], sizes = [1, 640], strides = [1, 1]} : vector<16x640xf32> to vector<1x640xf32>
    %slice3A_13 = vector.extract_strided_slice %transpose3A_9 {offsets = [3, 0], sizes = [1, 640], strides = [1, 1]} : vector<16x640xf32> to vector<1x640xf32>
    %slice3A_14 = vector.extract_strided_slice %transpose3A_9 {offsets = [4, 0], sizes = [1, 640], strides = [1, 1]} : vector<16x640xf32> to vector<1x640xf32>
    %get3A_15 = arith.constant 1280 : index
    %get3A_16 = arith.constant 0 : index
    %get3A_17 = vector.load %arg0[%get3A_15, %get3A_16] : memref<5120x16xf32, #tpu.memory_space<vmem>>, vector<640x16xf32>
    %transpose3A_18 = tpu.transpose %get3A_17, [1, 0] : vector<640x16xf32> -> vector<16x640xf32>
    %slice3A_19 = vector.extract_strided_slice %transpose3A_18 {offsets = [0, 0], sizes = [1, 640], strides = [1, 1]} : vector<16x640xf32> to vector<1x640xf32>
    %slice3A_20 = vector.extract_strided_slice %transpose3A_18 {offsets = [1, 0], sizes = [1, 640], strides = [1, 1]} : vector<16x640xf32> to vector<1x640xf32>
    %slice3A_21 = vector.extract_strided_slice %transpose3A_18 {offsets = [2, 0], sizes = [1, 640], strides = [1, 1]} : vector<16x640xf32> to vector<1x640xf32>
    %slice3A_22 = vector.extract_strided_slice %transpose3A_18 {offsets = [3, 0], sizes = [1, 640], strides = [1, 1]} : vector<16x640xf32> to vector<1x640xf32>
    %slice3A_23 = vector.extract_strided_slice %transpose3A_18 {offsets = [4, 0], sizes = [1, 640], strides = [1, 1]} : vector<16x640xf32> to vector<1x640xf32>
    %get3A_24 = arith.constant 1920 : index
    %get3A_25 = arith.constant 0 : index
    %get3A_26 = vector.load %arg0[%get3A_24, %get3A_25] : memref<5120x16xf32, #tpu.memory_space<vmem>>, vector<640x16xf32>
    %transpose3A_27 = tpu.transpose %get3A_26, [1, 0] : vector<640x16xf32> -> vector<16x640xf32>
    %slice3A_28 = vector.extract_strided_slice %transpose3A_27 {offsets = [0, 0], sizes = [1, 640], strides = [1, 1]} : vector<16x640xf32> to vector<1x640xf32>
    %slice3A_29 = vector.extract_strided_slice %transpose3A_27 {offsets = [1, 0], sizes = [1, 640], strides = [1, 1]} : vector<16x640xf32> to vector<1x640xf32>
    %slice3A_30 = vector.extract_strided_slice %transpose3A_27 {offsets = [2, 0], sizes = [1, 640], strides = [1, 1]} : vector<16x640xf32> to vector<1x640xf32>
    %slice3A_31 = vector.extract_strided_slice %transpose3A_27 {offsets = [3, 0], sizes = [1, 640], strides = [1, 1]} : vector<16x640xf32> to vector<1x640xf32>
    %slice3A_32 = vector.extract_strided_slice %transpose3A_27 {offsets = [4, 0], sizes = [1, 640], strides = [1, 1]} : vector<16x640xf32> to vector<1x640xf32>
    %get3A_33 = arith.constant 2560 : index
    %get3A_34 = arith.constant 0 : index
    %get3A_35 = vector.load %arg0[%get3A_33, %get3A_34] : memref<5120x16xf32, #tpu.memory_space<vmem>>, vector<640x16xf32>
    %transpose3A_36 = tpu.transpose %get3A_35, [1, 0] : vector<640x16xf32> -> vector<16x640xf32>
    %slice3A_37 = vector.extract_strided_slice %transpose3A_36 {offsets = [0, 0], sizes = [1, 640], strides = [1, 1]} : vector<16x640xf32> to vector<1x640xf32>
    %slice3A_38 = vector.extract_strided_slice %transpose3A_36 {offsets = [1, 0], sizes = [1, 640], strides = [1, 1]} : vector<16x640xf32> to vector<1x640xf32>
    %slice3A_39 = vector.extract_strided_slice %transpose3A_36 {offsets = [2, 0], sizes = [1, 640], strides = [1, 1]} : vector<16x640xf32> to vector<1x640xf32>
    %slice3A_40 = vector.extract_strided_slice %transpose3A_36 {offsets = [3, 0], sizes = [1, 640], strides = [1, 1]} : vector<16x640xf32> to vector<1x640xf32>
    %slice3A_41 = vector.extract_strided_slice %transpose3A_36 {offsets = [4, 0], sizes = [1, 640], strides = [1, 1]} : vector<16x640xf32> to vector<1x640xf32>
    %get3A_42 = arith.constant 3200 : index
    %get3A_43 = arith.constant 0 : index
    %get3A_44 = vector.load %arg0[%get3A_42, %get3A_43] : memref<5120x16xf32, #tpu.memory_space<vmem>>, vector<640x16xf32>
    %transpose3A_45 = tpu.transpose %get3A_44, [1, 0] : vector<640x16xf32> -> vector<16x640xf32>
    %slice3A_46 = vector.extract_strided_slice %transpose3A_45 {offsets = [0, 0], sizes = [1, 640], strides = [1, 1]} : vector<16x640xf32> to vector<1x640xf32>
    %slice3A_47 = vector.extract_strided_slice %transpose3A_45 {offsets = [1, 0], sizes = [1, 640], strides = [1, 1]} : vector<16x640xf32> to vector<1x640xf32>
    %slice3A_48 = vector.extract_strided_slice %transpose3A_45 {offsets = [2, 0], sizes = [1, 640], strides = [1, 1]} : vector<16x640xf32> to vector<1x640xf32>
    %slice3A_49 = vector.extract_strided_slice %transpose3A_45 {offsets = [3, 0], sizes = [1, 640], strides = [1, 1]} : vector<16x640xf32> to vector<1x640xf32>
    %slice3A_50 = vector.extract_strided_slice %transpose3A_45 {offsets = [4, 0], sizes = [1, 640], strides = [1, 1]} : vector<16x640xf32> to vector<1x640xf32>
    %get3A_51 = arith.constant 3840 : index
    %get3A_52 = arith.constant 0 : index
    %get3A_53 = vector.load %arg0[%get3A_51, %get3A_52] : memref<5120x16xf32, #tpu.memory_space<vmem>>, vector<640x16xf32>
    %transpose3A_54 = tpu.transpose %get3A_53, [1, 0] : vector<640x16xf32> -> vector<16x640xf32>
    %slice3A_55 = vector.extract_strided_slice %transpose3A_54 {offsets = [0, 0], sizes = [1, 640], strides = [1, 1]} : vector<16x640xf32> to vector<1x640xf32>
    %slice3A_56 = vector.extract_strided_slice %transpose3A_54 {offsets = [1, 0], sizes = [1, 640], strides = [1, 1]} : vector<16x640xf32> to vector<1x640xf32>
    %slice3A_57 = vector.extract_strided_slice %transpose3A_54 {offsets = [2, 0], sizes = [1, 640], strides = [1, 1]} : vector<16x640xf32> to vector<1x640xf32>
    %slice3A_58 = vector.extract_strided_slice %transpose3A_54 {offsets = [3, 0], sizes = [1, 640], strides = [1, 1]} : vector<16x640xf32> to vector<1x640xf32>
    %slice3A_59 = vector.extract_strided_slice %transpose3A_54 {offsets = [4, 0], sizes = [1, 640], strides = [1, 1]} : vector<16x640xf32> to vector<1x640xf32>
    %get3A_60 = arith.constant 4480 : index
    %get3A_61 = arith.constant 0 : index
    %get3A_62 = vector.load %arg0[%get3A_60, %get3A_61] : memref<5120x16xf32, #tpu.memory_space<vmem>>, vector<640x16xf32>
    %transpose3A_63 = tpu.transpose %get3A_62, [1, 0] : vector<640x16xf32> -> vector<16x640xf32>
    %slice3A_64 = vector.extract_strided_slice %transpose3A_63 {offsets = [0, 0], sizes = [1, 640], strides = [1, 1]} : vector<16x640xf32> to vector<1x640xf32>
    %slice3A_65 = vector.extract_strided_slice %transpose3A_63 {offsets = [1, 0], sizes = [1, 640], strides = [1, 1]} : vector<16x640xf32> to vector<1x640xf32>
    %slice3A_66 = vector.extract_strided_slice %transpose3A_63 {offsets = [2, 0], sizes = [1, 640], strides = [1, 1]} : vector<16x640xf32> to vector<1x640xf32>
    %slice3A_67 = vector.extract_strided_slice %transpose3A_63 {offsets = [3, 0], sizes = [1, 640], strides = [1, 1]} : vector<16x640xf32> to vector<1x640xf32>
    %slice3A_68 = vector.extract_strided_slice %transpose3A_63 {offsets = [4, 0], sizes = [1, 640], strides = [1, 1]} : vector<16x640xf32> to vector<1x640xf32>
    %concatenate3A = tpu.concatenate %slice3A, %slice3A_10, %slice3A_19, %slice3A_28, %slice3A_37, %slice3A_46, %slice3A_55, %slice3A_64 in 1 : vector<1x640xf32>, vector<1x640xf32>, vector<1x640xf32>, vector<1x640xf32>, vector<1x640xf32>, vector<1x640xf32>, vector<1x640xf32>, vector<1x640xf32> -> vector<1x5120xf32>
    %concatenate3A_69 = tpu.concatenate %slice3A_2, %slice3A_11, %slice3A_20, %slice3A_29, %slice3A_38, %slice3A_47, %slice3A_56, %slice3A_65 in 1 : vector<1x640xf32>, vector<1x640xf32>, vector<1x640xf32>, vector<1x640xf32>, vector<1x640xf32>, vector<1x640xf32>, vector<1x640xf32>, vector<1x640xf32> -> vector<1x5120xf32>
    %concatenate3A_70 = tpu.concatenate %slice3A_3, %slice3A_12, %slice3A_21, %slice3A_30, %slice3A_39, %slice3A_48, %slice3A_57, %slice3A_66 in 1 : vector<1x640xf32>, vector<1x640xf32>, vector<1x640xf32>, vector<1x640xf32>, vector<1x640xf32>, vector<1x640xf32>, vector<1x640xf32>, vector<1x640xf32> -> vector<1x5120xf32>
    %concatenate3A_71 = tpu.concatenate %slice3A_4, %slice3A_13, %slice3A_22, %slice3A_31, %slice3A_40, %slice3A_49, %slice3A_58, %slice3A_67 in 1 : vector<1x640xf32>, vector<1x640xf32>, vector<1x640xf32>, vector<1x640xf32>, vector<1x640xf32>, vector<1x640xf32>, vector<1x640xf32>, vector<1x640xf32> -> vector<1x5120xf32>
    %concatenate3A_72 = tpu.concatenate %slice3A_5, %slice3A_14, %slice3A_23, %slice3A_32, %slice3A_41, %slice3A_50, %slice3A_59, %slice3A_68 in 1 : vector<1x640xf32>, vector<1x640xf32>, vector<1x640xf32>, vector<1x640xf32>, vector<1x640xf32>, vector<1x640xf32>, vector<1x640xf32>, vector<1x640xf32> -> vector<1x5120xf32>
    %sub3A = arith.subf %concatenate3A_70, %concatenate3A : vector<1x5120xf32>
    %sub3A_73 = arith.subf %concatenate3A_71, %concatenate3A_69 : vector<1x5120xf32>
    %mul3A = arith.mulf %sub3A, %sub3A_73 : vector<1x5120xf32>
    %get3A_74 = arith.constant 0 : index
    %get3A_75 = arith.constant 0 : index
    %get3A_76 = vector.load %arg0[%get3A_74, %get3A_75] : memref<5120x16xf32, #tpu.memory_space<vmem>>, vector<5120x5xf32>
    %convert_element_type3A = arith.truncf %get3A_76 : vector<5120x5xf32> to vector<5120x5xbf16>
    %convert_element_type3A_77 = arith.extf %convert_element_type3A : vector<5120x5xbf16> to vector<5120x5xf32>
    %sub3A_78 = arith.subf %get3A_76, %convert_element_type3A_77 : vector<5120x5xf32>
    %convert_element_type3A_79 = arith.truncf %sub3A_78 : vector<5120x5xf32> to vector<5120x5xbf16>
    %convert_element_type3A_80 = arith.extf %convert_element_type3A_79 : vector<5120x5xbf16> to vector<5120x5xf32>
    %sub3A_81 = arith.subf %sub3A_78, %convert_element_type3A_80 : vector<5120x5xf32>
    %broadcast_in_dim3A = arith.constant 0.000000e+00 : f32
    %broadcast_in_dim3A_82 = vector.broadcast %broadcast_in_dim3A : f32 to vector<5120x1xf32>
    %concatenate3A_83 = tpu.concatenate %convert_element_type3A_77, %convert_element_type3A_80, %sub3A_81, %broadcast_in_dim3A_82 in 1 : vector<5120x5xf32>, vector<5120x5xf32>, vector<5120x5xf32>, vector<5120x1xf32> -> vector<5120x16xf32>
    %convert_element_type3A_84 = arith.truncf %concatenate3A_83 : vector<5120x16xf32> to vector<5120x16xbf16>
    %iota3A = tpu.iota {dimensions = array<i32: 0>} : vector<128x1xi32>
    %convert_element_type3A_85 = arith.sitofp %iota3A : vector<128x1xi32> to vector<128x1xf32>
    %iota3A_86 = tpu.iota {dimensions = array<i32: 1>} : vector<1x128xi32>
    %iota3A_87 = tpu.iota {dimensions = array<i32: 0>} : vector<128x128xi32>
    %iota3A_88 = tpu.iota {dimensions = array<i32: 1>} : vector<128x128xi32>
    %lt3A = arith.cmpi slt, %iota3A_87, %iota3A_88 : vector<128x128xi32>
    %gt3A = arith.constant 5.000000e-02 : f32
    %gt3A_89 = vector.broadcast %gt3A : f32 to vector<1x5120xf32>
    %gt3A_90 = arith.cmpf ogt, %concatenate3A_72, %gt3A_89 : vector<1x5120xf32>
    %convert_element_type3A_91 = arith.extui %gt3A_90 : vector<1x5120xi1> to vector<1x5120xi32>
    %convert_element_type3A_92 = arith.sitofp %convert_element_type3A_91 : vector<1x5120xi32> to vector<1x5120xf32>
    %broadcast_in_dim3A_93 = arith.constant 0.000000e+00 : f32
    %broadcast_in_dim3A_94 = vector.broadcast %broadcast_in_dim3A_93 : f32 to vector<1x5120xf32>
    %reduce_sum3A = vector.shape_cast %convert_element_type3A_92 : vector<1x5120xf32> to vector<1x1x5120xf32>
    %reduce_sum3A_95 = arith.constant dense<0.000000e+00> : vector<1xf32>
    %reduce_sum3A_96 = vector.multi_reduction <add>, %reduce_sum3A, %reduce_sum3A_95 [1, 2] : vector<1x1x5120xf32> to vector<1xf32>
    %reduce_sum3A_97 = vector.shape_cast %reduce_sum3A_96 : vector<1xf32> to vector<1x1x1xf32>
    %reduce_sum3A_98 = vector.extract %reduce_sum3A_97[0, 0, 0] : f32 from vector<1x1x1xf32>
    %while3A:3 = scf.while (%while3A_118 = %convert_element_type3A_92, %while3A_119 = %broadcast_in_dim3A_94, %while3A_120 = %reduce_sum3A_98) : (vector<1x5120xf32>, vector<1x5120xf32>, f32) -> (vector<1x5120xf32>, vector<1x5120xf32>, f32) {
      %gt3A_121 = arith.constant 0.000000e+00 : f32
      %gt3A_122 = arith.cmpf ogt, %while3A_120, %gt3A_121 : f32
      scf.condition(%gt3A_122) %while3A_118, %while3A_119, %while3A_120 : vector<1x5120xf32>, vector<1x5120xf32>, f32
    } do {
    ^bb0(%while3A_118: vector<1x5120xf32>, %while3A_119: vector<1x5120xf32>, %while3A_120: f32):
      %slice3A_121 = vector.extract_strided_slice %while3A_118 {offsets = [0, 0], sizes = [1, 5119], strides = [1, 1]} : vector<1x5120xf32> to vector<1x5119xf32>
      %jit3A = arith.constant 0 : i32
      %convert_element_type3A_122 = arith.sitofp %jit3A : i32 to f32
      %pad3A = vector.broadcast %convert_element_type3A_122 : f32 to vector<1x1xf32>
      %pad3A_123 = tpu.concatenate %pad3A, %slice3A_121 in 1 : vector<1x1xf32>, vector<1x5119xf32> -> vector<1x5120xf32>
      %add3A = arith.addf %while3A_118, %pad3A_123 : vector<1x5120xf32>
      %slice3A_124 = vector.extract_strided_slice %add3A {offsets = [0, 0], sizes = [1, 5118], strides = [1, 1]} : vector<1x5120xf32> to vector<1x5118xf32>
      %jit3A_125 = arith.constant 0 : i32
      %convert_element_type3A_126 = arith.sitofp %jit3A_125 : i32 to f32
      %pad3A_127 = vector.broadcast %convert_element_type3A_126 : f32 to vector<1x2xf32>
      %pad3A_128 = tpu.concatenate %pad3A_127, %slice3A_124 in 1 : vector<1x2xf32>, vector<1x5118xf32> -> vector<1x5120xf32>
      %add3A_129 = arith.addf %add3A, %pad3A_128 : vector<1x5120xf32>
      %slice3A_130 = vector.extract_strided_slice %add3A_129 {offsets = [0, 0], sizes = [1, 5116], strides = [1, 1]} : vector<1x5120xf32> to vector<1x5116xf32>
      %jit3A_131 = arith.constant 0 : i32
      %convert_element_type3A_132 = arith.sitofp %jit3A_131 : i32 to f32
      %pad3A_133 = vector.broadcast %convert_element_type3A_132 : f32 to vector<1x4xf32>
      %pad3A_134 = tpu.concatenate %pad3A_133, %slice3A_130 in 1 : vector<1x4xf32>, vector<1x5116xf32> -> vector<1x5120xf32>
      %add3A_135 = arith.addf %add3A_129, %pad3A_134 : vector<1x5120xf32>
      %slice3A_136 = vector.extract_strided_slice %add3A_135 {offsets = [0, 0], sizes = [1, 5112], strides = [1, 1]} : vector<1x5120xf32> to vector<1x5112xf32>
      %jit3A_137 = arith.constant 0 : i32
      %convert_element_type3A_138 = arith.sitofp %jit3A_137 : i32 to f32
      %pad3A_139 = vector.broadcast %convert_element_type3A_138 : f32 to vector<1x8xf32>
      %pad3A_140 = tpu.concatenate %pad3A_139, %slice3A_136 in 1 : vector<1x8xf32>, vector<1x5112xf32> -> vector<1x5120xf32>
      %add3A_141 = arith.addf %add3A_135, %pad3A_140 : vector<1x5120xf32>
      %slice3A_142 = vector.extract_strided_slice %add3A_141 {offsets = [0, 0], sizes = [1, 5104], strides = [1, 1]} : vector<1x5120xf32> to vector<1x5104xf32>
      %jit3A_143 = arith.constant 0 : i32
      %convert_element_type3A_144 = arith.sitofp %jit3A_143 : i32 to f32
      %pad3A_145 = vector.broadcast %convert_element_type3A_144 : f32 to vector<1x16xf32>
      %pad3A_146 = tpu.concatenate %pad3A_145, %slice3A_142 in 1 : vector<1x16xf32>, vector<1x5104xf32> -> vector<1x5120xf32>
      %add3A_147 = arith.addf %add3A_141, %pad3A_146 : vector<1x5120xf32>
      %slice3A_148 = vector.extract_strided_slice %add3A_147 {offsets = [0, 0], sizes = [1, 5088], strides = [1, 1]} : vector<1x5120xf32> to vector<1x5088xf32>
      %jit3A_149 = arith.constant 0 : i32
      %convert_element_type3A_150 = arith.sitofp %jit3A_149 : i32 to f32
      %pad3A_151 = vector.broadcast %convert_element_type3A_150 : f32 to vector<1x32xf32>
      %pad3A_152 = tpu.concatenate %pad3A_151, %slice3A_148 in 1 : vector<1x32xf32>, vector<1x5088xf32> -> vector<1x5120xf32>
      %add3A_153 = arith.addf %add3A_147, %pad3A_152 : vector<1x5120xf32>
      %slice3A_154 = vector.extract_strided_slice %add3A_153 {offsets = [0, 0], sizes = [1, 5056], strides = [1, 1]} : vector<1x5120xf32> to vector<1x5056xf32>
      %jit3A_155 = arith.constant 0 : i32
      %convert_element_type3A_156 = arith.sitofp %jit3A_155 : i32 to f32
      %pad3A_157 = vector.broadcast %convert_element_type3A_156 : f32 to vector<1x64xf32>
      %pad3A_158 = tpu.concatenate %pad3A_157, %slice3A_154 in 1 : vector<1x64xf32>, vector<1x5056xf32> -> vector<1x5120xf32>
      %add3A_159 = arith.addf %add3A_153, %pad3A_158 : vector<1x5120xf32>
      %slice3A_160 = vector.extract_strided_slice %add3A_159 {offsets = [0, 0], sizes = [1, 4992], strides = [1, 1]} : vector<1x5120xf32> to vector<1x4992xf32>
      %jit3A_161 = arith.constant 0 : i32
      %convert_element_type3A_162 = arith.sitofp %jit3A_161 : i32 to f32
      %pad3A_163 = vector.broadcast %convert_element_type3A_162 : f32 to vector<1x128xf32>
      %pad3A_164 = tpu.concatenate %pad3A_163, %slice3A_160 in 1 : vector<1x128xf32>, vector<1x4992xf32> -> vector<1x5120xf32>
      %add3A_165 = arith.addf %add3A_159, %pad3A_164 : vector<1x5120xf32>
      %slice3A_166 = vector.extract_strided_slice %add3A_165 {offsets = [0, 0], sizes = [1, 4864], strides = [1, 1]} : vector<1x5120xf32> to vector<1x4864xf32>
      %jit3A_167 = arith.constant 0 : i32
      %convert_element_type3A_168 = arith.sitofp %jit3A_167 : i32 to f32
      %pad3A_169 = vector.broadcast %convert_element_type3A_168 : f32 to vector<1x256xf32>
      %pad3A_170 = tpu.concatenate %pad3A_169, %slice3A_166 in 1 : vector<1x256xf32>, vector<1x4864xf32> -> vector<1x5120xf32>
      %add3A_171 = arith.addf %add3A_165, %pad3A_170 : vector<1x5120xf32>
      %slice3A_172 = vector.extract_strided_slice %add3A_171 {offsets = [0, 0], sizes = [1, 4608], strides = [1, 1]} : vector<1x5120xf32> to vector<1x4608xf32>
      %jit3A_173 = arith.constant 0 : i32
      %convert_element_type3A_174 = arith.sitofp %jit3A_173 : i32 to f32
      %pad3A_175 = vector.broadcast %convert_element_type3A_174 : f32 to vector<1x512xf32>
      %pad3A_176 = tpu.concatenate %pad3A_175, %slice3A_172 in 1 : vector<1x512xf32>, vector<1x4608xf32> -> vector<1x5120xf32>
      %add3A_177 = arith.addf %add3A_171, %pad3A_176 : vector<1x5120xf32>
      %slice3A_178 = vector.extract_strided_slice %add3A_177 {offsets = [0, 0], sizes = [1, 4096], strides = [1, 1]} : vector<1x5120xf32> to vector<1x4096xf32>
      %jit3A_179 = arith.constant 0 : i32
      %convert_element_type3A_180 = arith.sitofp %jit3A_179 : i32 to f32
      %pad3A_181 = vector.broadcast %convert_element_type3A_180 : f32 to vector<1x1024xf32>
      %pad3A_182 = tpu.concatenate %pad3A_181, %slice3A_178 in 1 : vector<1x1024xf32>, vector<1x4096xf32> -> vector<1x5120xf32>
      %add3A_183 = arith.addf %add3A_177, %pad3A_182 : vector<1x5120xf32>
      %slice3A_184 = vector.extract_strided_slice %add3A_183 {offsets = [0, 0], sizes = [1, 3072], strides = [1, 1]} : vector<1x5120xf32> to vector<1x3072xf32>
      %jit3A_185 = arith.constant 0 : i32
      %convert_element_type3A_186 = arith.sitofp %jit3A_185 : i32 to f32
      %pad3A_187 = vector.broadcast %convert_element_type3A_186 : f32 to vector<1x2048xf32>
      %pad3A_188 = tpu.concatenate %pad3A_187, %slice3A_184 in 1 : vector<1x2048xf32>, vector<1x3072xf32> -> vector<1x5120xf32>
      %add3A_189 = arith.addf %add3A_183, %pad3A_188 : vector<1x5120xf32>
      %slice3A_190 = vector.extract_strided_slice %add3A_189 {offsets = [0, 0], sizes = [1, 1024], strides = [1, 1]} : vector<1x5120xf32> to vector<1x1024xf32>
      %jit3A_191 = arith.constant 0 : i32
      %convert_element_type3A_192 = arith.sitofp %jit3A_191 : i32 to f32
      %pad3A_193 = vector.broadcast %convert_element_type3A_192 : f32 to vector<1x4096xf32>
      %pad3A_194 = tpu.concatenate %pad3A_193, %slice3A_190 in 1 : vector<1x4096xf32>, vector<1x1024xf32> -> vector<1x5120xf32>
      %add3A_195 = arith.addf %add3A_189, %pad3A_194 : vector<1x5120xf32>
      %sub3A_196 = arith.subf %add3A_195, %while3A_118 : vector<1x5120xf32>
      %gt3A_197 = arith.constant 0.000000e+00 : f32
      %gt3A_198 = vector.broadcast %gt3A_197 : f32 to vector<1x5120xf32>
      %gt3A_199 = arith.cmpf ogt, %while3A_118, %gt3A_198 : vector<1x5120xf32>
      %lt3A_200 = arith.constant 1.280000e+02 : f32
      %lt3A_201 = vector.broadcast %lt3A_200 : f32 to vector<1x5120xf32>
      %lt3A_202 = arith.cmpf olt, %sub3A_196, %lt3A_201 : vector<1x5120xf32>
      %and3A = arith.andi %gt3A_199, %lt3A_202 : vector<1x5120xi1>
      %jit3A_203 = arith.constant 1.000000e+00 : f32
      %jit3A_204 = arith.constant 0.000000e+00 : f32
      %broadcast_in_dim3A_205 = vector.broadcast %jit3A_203 : f32 to vector<1x5120xf32>
      %broadcast_in_dim3A_206 = vector.broadcast %jit3A_204 : f32 to vector<1x5120xf32>
      %select_n3A = arith.select %and3A, %broadcast_in_dim3A_205, %broadcast_in_dim3A_206 : vector<1x5120xi1>, vector<1x5120xf32>
      %eq3A = vector.broadcast %sub3A_196 : vector<1x5120xf32> to vector<128x5120xf32>
      %eq3A_207 = vector.broadcast %convert_element_type3A_85 : vector<128x1xf32> to vector<128x5120xf32>
      %eq3A_208 = arith.cmpf oeq, %eq3A, %eq3A_207 : vector<128x5120xf32>
      %gt3A_209 = arith.constant 0.000000e+00 : f32
      %gt3A_210 = vector.broadcast %gt3A_209 : f32 to vector<1x5120xf32>
      %gt3A_211 = arith.cmpf ogt, %while3A_118, %gt3A_210 : vector<1x5120xf32>
      %and3A_212 = vector.broadcast %gt3A_211 : vector<1x5120xi1> to vector<128x5120xi1>
      %and3A_213 = arith.andi %eq3A_208, %and3A_212 : vector<128x5120xi1>
      %convert_element_type3A_214 = arith.extui %and3A_213 : vector<128x5120xi1> to vector<128x5120xi32>
      %convert_element_type3A_215 = arith.sitofp %convert_element_type3A_214 : vector<128x5120xi32> to vector<128x5120xf32>
      %convert_element_type3A_216 = arith.truncf %convert_element_type3A_215 : vector<128x5120xf32> to vector<128x5120xbf16>
      %dot_general3A = arith.constant dense<0.000000e+00> : vector<128x16xf32>
      %dot_general3A_217 = tpu.matmul %convert_element_type3A_216, %convert_element_type3A_84, %dot_general3A {dimension_numbers = #tpu.dot_dimension_numbers<[1], [0], [0], [1], [0, 0, 1, 1], [], []>, transpose_lhs_hint = false} : vector<128x5120xbf16>, vector<5120x16xbf16>, vector<128x16xf32> -> vector<128x16xf32>
      %transpose3A_218 = tpu.transpose %dot_general3A_217, [1, 0] : vector<128x16xf32> -> vector<16x128xf32>
      %slice3A_219 = vector.extract_strided_slice %dot_general3A_217 {offsets = [0, 0], sizes = [128, 1], strides = [1, 1]} : vector<128x16xf32> to vector<128x1xf32>
      %slice3A_220 = vector.extract_strided_slice %dot_general3A_217 {offsets = [0, 5], sizes = [128, 1], strides = [1, 1]} : vector<128x16xf32> to vector<128x1xf32>
      %add3A_221 = arith.addf %slice3A_219, %slice3A_220 : vector<128x1xf32>
      %slice3A_222 = vector.extract_strided_slice %dot_general3A_217 {offsets = [0, 10], sizes = [128, 1], strides = [1, 1]} : vector<128x16xf32> to vector<128x1xf32>
      %add3A_223 = arith.addf %add3A_221, %slice3A_222 : vector<128x1xf32>
      %slice3A_224 = vector.extract_strided_slice %dot_general3A_217 {offsets = [0, 1], sizes = [128, 1], strides = [1, 1]} : vector<128x16xf32> to vector<128x1xf32>
      %slice3A_225 = vector.extract_strided_slice %dot_general3A_217 {offsets = [0, 6], sizes = [128, 1], strides = [1, 1]} : vector<128x16xf32> to vector<128x1xf32>
      %add3A_226 = arith.addf %slice3A_224, %slice3A_225 : vector<128x1xf32>
      %slice3A_227 = vector.extract_strided_slice %dot_general3A_217 {offsets = [0, 11], sizes = [128, 1], strides = [1, 1]} : vector<128x16xf32> to vector<128x1xf32>
      %add3A_228 = arith.addf %add3A_226, %slice3A_227 : vector<128x1xf32>
      %slice3A_229 = vector.extract_strided_slice %dot_general3A_217 {offsets = [0, 2], sizes = [128, 1], strides = [1, 1]} : vector<128x16xf32> to vector<128x1xf32>
      %slice3A_230 = vector.extract_strided_slice %dot_general3A_217 {offsets = [0, 7], sizes = [128, 1], strides = [1, 1]} : vector<128x16xf32> to vector<128x1xf32>
      %add3A_231 = arith.addf %slice3A_229, %slice3A_230 : vector<128x1xf32>
      %slice3A_232 = vector.extract_strided_slice %dot_general3A_217 {offsets = [0, 12], sizes = [128, 1], strides = [1, 1]} : vector<128x16xf32> to vector<128x1xf32>
      %add3A_233 = arith.addf %add3A_231, %slice3A_232 : vector<128x1xf32>
      %slice3A_234 = vector.extract_strided_slice %dot_general3A_217 {offsets = [0, 3], sizes = [128, 1], strides = [1, 1]} : vector<128x16xf32> to vector<128x1xf32>
      %slice3A_235 = vector.extract_strided_slice %dot_general3A_217 {offsets = [0, 8], sizes = [128, 1], strides = [1, 1]} : vector<128x16xf32> to vector<128x1xf32>
      %add3A_236 = arith.addf %slice3A_234, %slice3A_235 : vector<128x1xf32>
      %slice3A_237 = vector.extract_strided_slice %dot_general3A_217 {offsets = [0, 13], sizes = [128, 1], strides = [1, 1]} : vector<128x16xf32> to vector<128x1xf32>
      %add3A_238 = arith.addf %add3A_236, %slice3A_237 : vector<128x1xf32>
      %slice3A_239 = vector.extract_strided_slice %transpose3A_218 {offsets = [0, 0], sizes = [1, 128], strides = [1, 1]} : vector<16x128xf32> to vector<1x128xf32>
      %slice3A_240 = vector.extract_strided_slice %transpose3A_218 {offsets = [5, 0], sizes = [1, 128], strides = [1, 1]} : vector<16x128xf32> to vector<1x128xf32>
      %add3A_241 = arith.addf %slice3A_239, %slice3A_240 : vector<1x128xf32>
      %slice3A_242 = vector.extract_strided_slice %transpose3A_218 {offsets = [10, 0], sizes = [1, 128], strides = [1, 1]} : vector<16x128xf32> to vector<1x128xf32>
      %add3A_243 = arith.addf %add3A_241, %slice3A_242 : vector<1x128xf32>
      %slice3A_244 = vector.extract_strided_slice %transpose3A_218 {offsets = [1, 0], sizes = [1, 128], strides = [1, 1]} : vector<16x128xf32> to vector<1x128xf32>
      %slice3A_245 = vector.extract_strided_slice %transpose3A_218 {offsets = [6, 0], sizes = [1, 128], strides = [1, 1]} : vector<16x128xf32> to vector<1x128xf32>
      %add3A_246 = arith.addf %slice3A_244, %slice3A_245 : vector<1x128xf32>
      %slice3A_247 = vector.extract_strided_slice %transpose3A_218 {offsets = [11, 0], sizes = [1, 128], strides = [1, 1]} : vector<16x128xf32> to vector<1x128xf32>
      %add3A_248 = arith.addf %add3A_246, %slice3A_247 : vector<1x128xf32>
      %slice3A_249 = vector.extract_strided_slice %transpose3A_218 {offsets = [2, 0], sizes = [1, 128], strides = [1, 1]} : vector<16x128xf32> to vector<1x128xf32>
      %slice3A_250 = vector.extract_strided_slice %transpose3A_218 {offsets = [7, 0], sizes = [1, 128], strides = [1, 1]} : vector<16x128xf32> to vector<1x128xf32>
      %add3A_251 = arith.addf %slice3A_249, %slice3A_250 : vector<1x128xf32>
      %slice3A_252 = vector.extract_strided_slice %transpose3A_218 {offsets = [12, 0], sizes = [1, 128], strides = [1, 1]} : vector<16x128xf32> to vector<1x128xf32>
      %add3A_253 = arith.addf %add3A_251, %slice3A_252 : vector<1x128xf32>
      %slice3A_254 = vector.extract_strided_slice %transpose3A_218 {offsets = [3, 0], sizes = [1, 128], strides = [1, 1]} : vector<16x128xf32> to vector<1x128xf32>
      %slice3A_255 = vector.extract_strided_slice %transpose3A_218 {offsets = [8, 0], sizes = [1, 128], strides = [1, 1]} : vector<16x128xf32> to vector<1x128xf32>
      %add3A_256 = arith.addf %slice3A_254, %slice3A_255 : vector<1x128xf32>
      %slice3A_257 = vector.extract_strided_slice %transpose3A_218 {offsets = [13, 0], sizes = [1, 128], strides = [1, 1]} : vector<16x128xf32> to vector<1x128xf32>
      %add3A_258 = arith.addf %add3A_256, %slice3A_257 : vector<1x128xf32>
      %sub3A_259 = arith.subf %add3A_233, %add3A_223 : vector<128x1xf32>
      %sub3A_260 = arith.subf %add3A_238, %add3A_228 : vector<128x1xf32>
      %mul3A_261 = arith.mulf %sub3A_259, %sub3A_260 : vector<128x1xf32>
      %sub3A_262 = arith.subf %add3A_253, %add3A_243 : vector<1x128xf32>
      %sub3A_263 = arith.subf %add3A_258, %add3A_248 : vector<1x128xf32>
      %mul3A_264 = arith.mulf %sub3A_262, %sub3A_263 : vector<1x128xf32>
      %min3A = vector.broadcast %add3A_233 : vector<128x1xf32> to vector<128x128xf32>
      %min3A_265 = vector.broadcast %add3A_253 : vector<1x128xf32> to vector<128x128xf32>
      %min3A_266 = arith.minimumf %min3A, %min3A_265 : vector<128x128xf32>
      %max3A = vector.broadcast %add3A_223 : vector<128x1xf32> to vector<128x128xf32>
      %max3A_267 = vector.broadcast %add3A_243 : vector<1x128xf32> to vector<128x128xf32>
      %max3A_268 = arith.maximumf %max3A, %max3A_267 : vector<128x128xf32>
      %sub3A_269 = arith.subf %min3A_266, %max3A_268 : vector<128x128xf32>
      %max3A_270 = arith.constant 0.000000e+00 : f32
      %max3A_271 = vector.broadcast %max3A_270 : f32 to vector<128x128xf32>
      %max3A_272 = arith.maximumf %sub3A_269, %max3A_271 : vector<128x128xf32>
      %min3A_273 = vector.broadcast %add3A_238 : vector<128x1xf32> to vector<128x128xf32>
      %min3A_274 = vector.broadcast %add3A_258 : vector<1x128xf32> to vector<128x128xf32>
      %min3A_275 = arith.minimumf %min3A_273, %min3A_274 : vector<128x128xf32>
      %max3A_276 = vector.broadcast %add3A_228 : vector<128x1xf32> to vector<128x128xf32>
      %max3A_277 = vector.broadcast %add3A_248 : vector<1x128xf32> to vector<128x128xf32>
      %max3A_278 = arith.maximumf %max3A_276, %max3A_277 : vector<128x128xf32>
      %sub3A_279 = arith.subf %min3A_275, %max3A_278 : vector<128x128xf32>
      %max3A_280 = arith.constant 0.000000e+00 : f32
      %max3A_281 = vector.broadcast %max3A_280 : f32 to vector<128x128xf32>
      %max3A_282 = arith.maximumf %sub3A_279, %max3A_281 : vector<128x128xf32>
      %mul3A_283 = arith.mulf %max3A_272, %max3A_282 : vector<128x128xf32>
      %add3A_284 = vector.broadcast %mul3A_261 : vector<128x1xf32> to vector<128x128xf32>
      %add3A_285 = vector.broadcast %mul3A_264 : vector<1x128xf32> to vector<128x128xf32>
      %add3A_286 = arith.addf %add3A_284, %add3A_285 : vector<128x128xf32>
      %sub3A_287 = arith.subf %add3A_286, %mul3A_283 : vector<128x128xf32>
      %max3A_288 = arith.constant 9.99999971E-10 : f32
      %max3A_289 = vector.broadcast %max3A_288 : f32 to vector<128x128xf32>
      %max3A_290 = arith.maximumf %sub3A_287, %max3A_289 : vector<128x128xf32>
      %div3A = arith.divf %mul3A_283, %max3A_290 : vector<128x128xf32>
      %gt3A_291 = arith.constant 3.000000e-01 : f32
      %gt3A_292 = vector.broadcast %gt3A_291 : f32 to vector<128x128xf32>
      %gt3A_293 = arith.cmpf ogt, %div3A, %gt3A_292 : vector<128x128xf32>
      %and3A_294 = arith.andi %gt3A_293, %lt3A : vector<128x128xi1>
      %jit3A_295 = arith.constant 1.000000e+00 : f32
      %jit3A_296 = arith.constant 0.000000e+00 : f32
      %broadcast_in_dim3A_297 = vector.broadcast %jit3A_295 : f32 to vector<128x128xf32>
      %broadcast_in_dim3A_298 = vector.broadcast %jit3A_296 : f32 to vector<128x128xf32>
      %select_n3A_299 = arith.select %and3A_294, %broadcast_in_dim3A_297, %broadcast_in_dim3A_298 : vector<128x128xi1>, vector<128x128xf32>
      %convert_element_type3A_300 = arith.truncf %select_n3A_299 : vector<128x128xf32> to vector<128x128xbf16>
      %reduce_sum3A_301 = vector.shape_cast %select_n3A : vector<1x5120xf32> to vector<1x1x5120xf32>
      %reduce_sum3A_302 = arith.constant dense<0.000000e+00> : vector<1xf32>
      %reduce_sum3A_303 = vector.multi_reduction <add>, %reduce_sum3A_301, %reduce_sum3A_302 [1, 2] : vector<1x1x5120xf32> to vector<1xf32>
      %reduce_sum3A_304 = vector.shape_cast %reduce_sum3A_303 : vector<1xf32> to vector<1x1x1xf32>
      %reduce_sum3A_305 = vector.extract %reduce_sum3A_304[0, 0, 0] : f32 from vector<1x1x1xf32>
      %convert_element_type3A_306 = arith.sitofp %iota3A_86 : vector<1x128xi32> to vector<1x128xf32>
      %lt3A_307 = vector.broadcast %reduce_sum3A_305 : f32 to vector<1x128xf32>
      %lt3A_308 = arith.cmpf olt, %convert_element_type3A_306, %lt3A_307 : vector<1x128xf32>
      %convert_element_type3A_309 = arith.extui %lt3A_308 : vector<1x128xi1> to vector<1x128xi32>
      %convert_element_type3A_310 = arith.sitofp %convert_element_type3A_309 : vector<1x128xi32> to vector<1x128xf32>
      %while3A_311 = arith.constant true
      %while3A_312:2 = scf.while (%while3A_369 = %convert_element_type3A_310, %while3A_370 = %while3A_311) : (vector<1x128xf32>, i1) -> (vector<1x128xf32>, i1) {
        scf.condition(%while3A_370) %while3A_369, %while3A_370 : vector<1x128xf32>, i1
      } do {
      ^bb0(%while3A_369: vector<1x128xf32>, %while3A_370: i1):
        %convert_element_type3A_371 = arith.truncf %while3A_369 : vector<1x128xf32> to vector<1x128xbf16>
        %dot_general3A_372 = arith.constant dense<0.000000e+00> : vector<1x128xf32>
        %dot_general3A_373 = tpu.matmul %convert_element_type3A_371, %convert_element_type3A_300, %dot_general3A_372 {dimension_numbers = #tpu.dot_dimension_numbers<[1], [0], [0], [1], [0, 0, 1, 1], [], []>, transpose_lhs_hint = false} : vector<1x128xbf16>, vector<128x128xbf16>, vector<1x128xf32> -> vector<1x128xf32>
        %gt3A_374 = arith.constant 5.000000e-01 : f32
        %gt3A_375 = vector.broadcast %gt3A_374 : f32 to vector<1x128xf32>
        %gt3A_376 = arith.cmpf ogt, %dot_general3A_373, %gt3A_375 : vector<1x128xf32>
        %jit3A_377 = arith.constant 0.000000e+00 : f32
        %broadcast_in_dim3A_378 = vector.broadcast %jit3A_377 : f32 to vector<1x128xf32>
        %select_n3A_379 = arith.select %gt3A_376, %broadcast_in_dim3A_378, %convert_element_type3A_310 : vector<1x128xi1>, vector<1x128xf32>
        %sub3A_380 = arith.subf %select_n3A_379, %while3A_369 : vector<1x128xf32>
        %abs3A = math.absf %sub3A_380 : vector<1x128xf32>
        %reduce_sum3A_381 = vector.shape_cast %abs3A : vector<1x128xf32> to vector<1x1x128xf32>
        %reduce_sum3A_382 = arith.constant dense<0.000000e+00> : vector<1xf32>
        %reduce_sum3A_383 = vector.multi_reduction <add>, %reduce_sum3A_381, %reduce_sum3A_382 [1, 2] : vector<1x1x128xf32> to vector<1xf32>
        %reduce_sum3A_384 = vector.shape_cast %reduce_sum3A_383 : vector<1xf32> to vector<1x1x1xf32>
        %reduce_sum3A_385 = vector.extract %reduce_sum3A_384[0, 0, 0] : f32 from vector<1x1x1xf32>
        %gt3A_386 = arith.constant 0.000000e+00 : f32
        %gt3A_387 = arith.cmpf ogt, %reduce_sum3A_385, %gt3A_386 : f32
        scf.yield %select_n3A_379, %gt3A_387 : vector<1x128xf32>, i1
      }
      %min3A_313 = vector.broadcast %concatenate3A_70 : vector<1x5120xf32> to vector<128x5120xf32>
      %min3A_314 = vector.broadcast %add3A_233 : vector<128x1xf32> to vector<128x5120xf32>
      %min3A_315 = arith.minimumf %min3A_313, %min3A_314 : vector<128x5120xf32>
      %max3A_316 = vector.broadcast %concatenate3A : vector<1x5120xf32> to vector<128x5120xf32>
      %max3A_317 = vector.broadcast %add3A_223 : vector<128x1xf32> to vector<128x5120xf32>
      %max3A_318 = arith.maximumf %max3A_316, %max3A_317 : vector<128x5120xf32>
      %sub3A_319 = arith.subf %min3A_315, %max3A_318 : vector<128x5120xf32>
      %max3A_320 = arith.constant 0.000000e+00 : f32
      %max3A_321 = vector.broadcast %max3A_320 : f32 to vector<128x5120xf32>
      %max3A_322 = arith.maximumf %sub3A_319, %max3A_321 : vector<128x5120xf32>
      %min3A_323 = vector.broadcast %concatenate3A_71 : vector<1x5120xf32> to vector<128x5120xf32>
      %min3A_324 = vector.broadcast %add3A_238 : vector<128x1xf32> to vector<128x5120xf32>
      %min3A_325 = arith.minimumf %min3A_323, %min3A_324 : vector<128x5120xf32>
      %max3A_326 = vector.broadcast %concatenate3A_69 : vector<1x5120xf32> to vector<128x5120xf32>
      %max3A_327 = vector.broadcast %add3A_228 : vector<128x1xf32> to vector<128x5120xf32>
      %max3A_328 = arith.maximumf %max3A_326, %max3A_327 : vector<128x5120xf32>
      %sub3A_329 = arith.subf %min3A_325, %max3A_328 : vector<128x5120xf32>
      %max3A_330 = arith.constant 0.000000e+00 : f32
      %max3A_331 = vector.broadcast %max3A_330 : f32 to vector<128x5120xf32>
      %max3A_332 = arith.maximumf %sub3A_329, %max3A_331 : vector<128x5120xf32>
      %mul3A_333 = arith.mulf %max3A_322, %max3A_332 : vector<128x5120xf32>
      %add3A_334 = vector.broadcast %mul3A_261 : vector<128x1xf32> to vector<128x5120xf32>
      %add3A_335 = vector.broadcast %mul3A : vector<1x5120xf32> to vector<128x5120xf32>
      %add3A_336 = arith.addf %add3A_334, %add3A_335 : vector<128x5120xf32>
      %sub3A_337 = arith.subf %add3A_336, %mul3A_333 : vector<128x5120xf32>
      %max3A_338 = arith.constant 9.99999971E-10 : f32
      %max3A_339 = vector.broadcast %max3A_338 : f32 to vector<128x5120xf32>
      %max3A_340 = arith.maximumf %sub3A_337, %max3A_339 : vector<128x5120xf32>
      %div3A_341 = arith.divf %mul3A_333, %max3A_340 : vector<128x5120xf32>
      %gt3A_342 = arith.constant 3.000000e-01 : f32
      %gt3A_343 = vector.broadcast %gt3A_342 : f32 to vector<128x5120xf32>
      %gt3A_344 = arith.cmpf ogt, %div3A_341, %gt3A_343 : vector<128x5120xf32>
      %convert_element_type3A_345 = arith.extui %gt3A_344 : vector<128x5120xi1> to vector<128x5120xi32>
      %convert_element_type3A_346 = arith.sitofp %convert_element_type3A_345 : vector<128x5120xi32> to vector<128x5120xf32>
      %convert_element_type3A_347 = arith.truncf %convert_element_type3A_346 : vector<128x5120xf32> to vector<128x5120xbf16>
      %convert_element_type3A_348 = arith.truncf %while3A_312#0 : vector<1x128xf32> to vector<1x128xbf16>
      %dot_general3A_349 = arith.constant dense<0.000000e+00> : vector<1x5120xf32>
      %dot_general3A_350 = tpu.matmul %convert_element_type3A_348, %convert_element_type3A_347, %dot_general3A_349 {dimension_numbers = #tpu.dot_dimension_numbers<[1], [0], [0], [1], [0, 0, 1, 1], [], []>, transpose_lhs_hint = false} : vector<1x128xbf16>, vector<128x5120xbf16>, vector<1x5120xf32> -> vector<1x5120xf32>
      %dot_general3A_351 = arith.constant dense<0.000000e+00> : vector<1x5120xf32>
      %dot_general3A_352 = tpu.matmul %convert_element_type3A_348, %convert_element_type3A_216, %dot_general3A_351 {dimension_numbers = #tpu.dot_dimension_numbers<[1], [0], [0], [1], [0, 0, 1, 1], [], []>, transpose_lhs_hint = false} : vector<1x128xbf16>, vector<128x5120xbf16>, vector<1x5120xf32> -> vector<1x5120xf32>
      %max3A_353 = arith.maximumf %while3A_119, %dot_general3A_352 : vector<1x5120xf32>
      %gt3A_354 = arith.constant 5.000000e-01 : f32
      %gt3A_355 = vector.broadcast %gt3A_354 : f32 to vector<1x5120xf32>
      %gt3A_356 = arith.cmpf ogt, %dot_general3A_350, %gt3A_355 : vector<1x5120xf32>
      %sub3A_357 = arith.constant 1.000000e+00 : f32
      %sub3A_358 = vector.broadcast %sub3A_357 : f32 to vector<1x5120xf32>
      %sub3A_359 = arith.subf %sub3A_358, %select_n3A : vector<1x5120xf32>
      %mul3A_360 = arith.mulf %while3A_118, %sub3A_359 : vector<1x5120xf32>
      %jit3A_361 = arith.constant 0.000000e+00 : f32
      %broadcast_in_dim3A_362 = vector.broadcast %jit3A_361 : f32 to vector<1x5120xf32>
      %select_n3A_363 = arith.select %gt3A_356, %broadcast_in_dim3A_362, %mul3A_360 : vector<1x5120xi1>, vector<1x5120xf32>
      %reduce_sum3A_364 = vector.shape_cast %select_n3A_363 : vector<1x5120xf32> to vector<1x1x5120xf32>
      %reduce_sum3A_365 = arith.constant dense<0.000000e+00> : vector<1xf32>
      %reduce_sum3A_366 = vector.multi_reduction <add>, %reduce_sum3A_364, %reduce_sum3A_365 [1, 2] : vector<1x1x5120xf32> to vector<1xf32>
      %reduce_sum3A_367 = vector.shape_cast %reduce_sum3A_366 : vector<1xf32> to vector<1x1x1xf32>
      %reduce_sum3A_368 = vector.extract %reduce_sum3A_367[0, 0, 0] : f32 from vector<1x1x1xf32>
      scf.yield %select_n3A_363, %max3A_353, %reduce_sum3A_368 : vector<1x5120xf32>, vector<1x5120xf32>, f32
    }
    %mul3A_99 = arith.mulf %concatenate3A, %while3A#1 : vector<1x5120xf32>
    %swap3A = arith.constant 0 : index
    %swap3A_100 = arith.constant 0 : index
    %swap3A_101 = vector.load %arg1[%swap3A, %swap3A_100] : memref<1x5120xf32, #tpu.memory_space<vmem>>, vector<1x5120xf32>
    tpu.vector_store %arg1[%swap3A, %swap3A_100], %mul3A_99 {strides = array<i32>} : memref<1x5120xf32, #tpu.memory_space<vmem>>, vector<1x5120xf32>,
    %mul3A_102 = arith.mulf %concatenate3A_69, %while3A#1 : vector<1x5120xf32>
    %swap3A_103 = arith.constant 0 : index
    %swap3A_104 = arith.constant 0 : index
    %swap3A_105 = vector.load %arg2[%swap3A_103, %swap3A_104] : memref<1x5120xf32, #tpu.memory_space<vmem>>, vector<1x5120xf32>
    tpu.vector_store %arg2[%swap3A_103, %swap3A_104], %mul3A_102 {strides = array<i32>} : memref<1x5120xf32, #tpu.memory_space<vmem>>, vector<1x5120xf32>,
    %mul3A_106 = arith.mulf %concatenate3A_70, %while3A#1 : vector<1x5120xf32>
    %swap3A_107 = arith.constant 0 : index
    %swap3A_108 = arith.constant 0 : index
    %swap3A_109 = vector.load %arg3[%swap3A_107, %swap3A_108] : memref<1x5120xf32, #tpu.memory_space<vmem>>, vector<1x5120xf32>
    tpu.vector_store %arg3[%swap3A_107, %swap3A_108], %mul3A_106 {strides = array<i32>} : memref<1x5120xf32, #tpu.memory_space<vmem>>, vector<1x5120xf32>,
    %mul3A_110 = arith.mulf %concatenate3A_71, %while3A#1 : vector<1x5120xf32>
    %swap3A_111 = arith.constant 0 : index
    %swap3A_112 = arith.constant 0 : index
    %swap3A_113 = vector.load %arg4[%swap3A_111, %swap3A_112] : memref<1x5120xf32, #tpu.memory_space<vmem>>, vector<1x5120xf32>
    tpu.vector_store %arg4[%swap3A_111, %swap3A_112], %mul3A_110 {strides = array<i32>} : memref<1x5120xf32, #tpu.memory_space<vmem>>, vector<1x5120xf32>,
    %mul3A_114 = arith.mulf %concatenate3A_72, %while3A#1 : vector<1x5120xf32>
    %swap3A_115 = arith.constant 0 : index
    %swap3A_116 = arith.constant 0 : index
    %swap3A_117 = vector.load %arg5[%swap3A_115, %swap3A_116] : memref<1x5120xf32, #tpu.memory_space<vmem>>, vector<1x5120xf32>
    tpu.vector_store %arg5[%swap3A_115, %swap3A_116], %mul3A_114 {strides = array<i32>} : memref<1x5120xf32, #tpu.memory_space<vmem>>, vector<1x5120xf32>,
    return
  }
}

</mosaic_0001>

<sc_bundles>
// kernel: kernel.5.cloned.1.call-start
scs
__scs_entry_jumppad:
0x0: {  	(pc) =	sbr.rel $0x88, $3  }
0x1: {  	(tag) =	ssettag $0x0;
	lr =	simm.s32 $0x1  }
0x2: {  	[smem:$0x3F9F] =	sst lr;
	_ =	strace $0xD0000000  }
0x3: {  	_ = 	snop  }
0x4: {  	_ = 	snop  }
0x5: {  	_ = 	snop  }
0x6: {  	_ = 	snop  }
0x7: {  	_ = 	snop  }
__scs_overlays_trampoline_lowered:
0x8: {  	[smem:$0x3FAE] =	sst s0  }
0x9: {  	[smem:$0x3FAF] =	sst s1  }
0xa: {  	[smem:$0x3FB0] =	sst s2  }
0xb: {  	[smem:$0x3FB1] =	sst s3  }
0xc: {  	[smem:$0x3FB2] =	sst s4  }
0xd: {  	[smem:$0x3FB3] =	sst s5  }
0xe: {  	[smem:$0x3FB4] =	sst s6  }
0xf: {  	[smem:$0x3FB5] =	sst s7  }
0x10: {  	[smem:$0x3FB6] =	sst s8  }
0x11: {  	[smem:$0x3FB7] =	sst s9;
	s0 =	simm.s32 @!p0 $0x0  }
0x12: {  	s1 =	sld [smem:$0x3F9D];
	s0 =	simm.s32 @p0 $0x1  }
0x13: {  	[smem:$0x3FB8] =	sst s0;
	s0 =	simm.s32 @!p1 $0x0  }
0x14: {  	s2 =	sld [smem:$0x3F9C];
	s0 =	simm.s32 @p1 $0x1  }
0x15: {  	[smem:$0x3FB9] =	sst s0;
	s0 =	simm.s32 @!p2 $0x0  }
0x16: {  	s3 =	sld [smem:$0x3FDB];
	s0 =	simm.s32 @p2 $0x1  }
0x17: {  	s4 =	simm.s32 $0x1BF5;
	[smem:$0x3FBB] =	sst s0  }
0x18: {  	s0 =	sld [smem:$0x3F9E];
	_ =	swait.ge [sflag:s4], $0x0  }
0x19: {  	s7 =	sld [smem:$0x3F9F]  }
0x1a: {  	s8 =	sadd.s32 $0xFFFFE003, lr  }
0x1b: {  	s9 =	sadd.s32 $0xFFFFFEF7, lr;
	s5 =	simm.s32 $0xFFFFFFFF;
	p2 =	slt.u32 s8, $0xFFFFF086  }
0x1c: {  	p1 =	slt.u32 s9, $0xF7A;
	s5 =	simm.s32 @!p2 $0x0  }
0x1d: {  	s5 =	simm.s32 @p1 $0x1;
	p0 =	seq.s32 s7, s2  }
0x1e: {  	s7 =	smul.u32 @!p0 $0xF7A, s2;
	p2 =	seq.s32 @!p0 s5, $0x0  }
0x1f: {  	s9 =	smul.u32 $0xF7A, s1;
	s8 =	simm.s32 @!p0 $0x1BF5;
	p2 =	por !p2, p0  }
0x20: {  	[sflag:s8] =	ssyncset.s32 @!p0 $0xFFFFF086;
	s6 =	sadd.s32 @!p0 s3, s7;
	s7 =	simm.s32 @!p0 $0x108  }
0x21: {  	s3 =	sadd.s32 s3, s9;
	s6 =	sadd.s32 @!p0 $0x88, s6;
	s7 =	simm.s32 @p2 $0x1082  }
0x22: {  	[simem:s7], [sflag:s8] =	dma.local @!p0 [hbm:s6], $0xF7A  }
0x23: {  	s9 =	sor.u32 $0xD0000000, s2;
	s6 =	simm.s32 $0x108;
	_ =	swait.ge @!p0 [sflag:s8], $0x0  }
0x24: {  	s3 =	sadd.s32 $0x88, s3;
	s6 =	simm.s32 @!p1 $0x1082;
	[sflag:s4] =	ssyncset.s32 $0xFFFFF086  }
0x25: {  	[simem:s6], [sflag:s4] =	dma.local [hbm:s3], $0xF7A  }
0x26: {  	[smem:$0x3F9F] =	sst s1;
	(tag) =	ssettag s2;
	_ =	strace s9  }
0x27: {  	s1 =	sld [smem:$0x3FAF]  }
0x28: {  	s2 =	sld [smem:$0x3FB0]  }
0x29: {  	s4 =	sld [smem:$0x3FB2]  }
0x2a: {  	p0 =	seq.s32 s5, $0x0;
	s5 =	sld [smem:$0x3FB3]  }
0x2b: {  	s6 =	sld [smem:$0x3FB4]  }
0x2c: {  	s7 =	sld [smem:$0x3FB5]  }
0x2d: {  	s3 =	simm.s32 $0x108;
	s8 =	sld [smem:$0x3FB6]  }
0x2e: {  	s3 =	simm.s32 @!p0 $0x1082;
	s9 =	sld [smem:$0x3FB7]  }
0x2f: {  	lr =	sadd.s32 s0, s3;
	s0 =	sld [smem:$0x3FAE]  }
0x30: {  	s3 =	sld [smem:$0x3FB1]  }
0x31: {  	[smem:$0x3FBA] =	sst s10  }
0x32: {  	s10 =	sld [smem:$0x3FB8];
	_ =	sdelay $0x3  }
0x33: {  	p0 =	seq.s32 s10, $0x1;
	s10 =	sld [smem:$0x3FBA];
	_ =	sdelay $0x3  }
0x34: {  	[smem:$0x3FBA] =	sst s10  }
0x35: {  	s10 =	sld [smem:$0x3FB9];
	_ =	sdelay $0x3  }
0x36: {  	p1 =	seq.s32 s10, $0x1;
	s10 =	sld [smem:$0x3FBA];
	_ =	sdelay $0x3  }
0x37: {  	[smem:$0x3FBA] =	sst s10  }
0x38: {  	s10 =	sld [smem:$0x3FBB]  }
0x39: {  	_ = 	snop;
	(pc) =	sbr.ind lr, $3  }
0x3a: {  	_ = 	snop  }
0x3b: {  	_ = 	snop  }
0x3c: {  	p2 =	seq.s32 s10, $0x1;
	s10 =	sld [smem:$0x3FBA]  }
0x3d: {  	_ =	shalt  }
0x3e: {  	_ =	shalt  }
0x3f: {  	_ =	shalt  }
0x40: {  	_ =	shalt  }
0x41: {  	_ =	shalt  }
0x42: {  	_ =	shalt  }
0x43: {  	_ =	shalt  }
0x44: {  	_ =	shalt  }
0x45: {  	_ =	shalt  }
0x46: {  	_ =	shalt  }
0x47: {  	_ =	shalt  }
0x48: {  	_ =	shalt  }
0x49: {  	_ =	shalt  }
0x4a: {  	_ =	shalt  }
0x4b: {  	_ =	shalt  }
0x4c: {  	_ =	shalt  }
0x4d: {  	_ =	shalt  }
0x4e: {  	_ =	shalt  }
0x4f: {  	_ =	shalt  }
0x50: {  	_ =	shalt  }
0x51: {  	_ =	shalt  }
0x52: {  	_ =	shalt  }
0x53: {  	_ =	shalt  }
0x54: {  	_ =	shalt  }
0x55: {  	_ =	shalt  }
0x56: {  	_ =	shalt  }
0x57: {  	_ =	shalt  }
0x58: {  	_ =	shalt  }
0x59: {  	_ =	shalt  }
0x5a: {  	_ =	shalt  }
0x5b: {  	_ =	shalt  }
0x5c: {  	_ =	shalt  }
0x5d: {  	_ =	shalt  }
0x5e: {  	_ =	shalt  }
0x5f: {  	_ =	shalt  }
0x60: {  	_ =	shalt  }
0x61: {  	_ =	shalt  }
0x62: {  	_ =	shalt  }
0x63: {  	_ =	shalt  }
0x64: {  	_ =	shalt  }
0x65: {  	_ =	shalt  }
0x66: {  	_ =	shalt  }
0x67: {  	_ =	shalt  }
0x68: {  	_ =	shalt  }
0x69: {  	_ =	shalt  }
0x6a: {  	_ =	shalt  }
0x6b: {  	_ =	shalt  }
0x6c: {  	_ =	shalt  }
0x6d: {  	_ =	shalt  }
0x6e: {  	_ =	shalt  }
0x6f: {  	_ =	shalt  }
0x70: {  	_ =	shalt  }
0x71: {  	_ =	shalt  }
0x72: {  	_ =	shalt  }
0x73: {  	_ =	shalt  }
0x74: {  	_ =	shalt  }
0x75: {  	_ =	shalt  }
0x76: {  	_ =	shalt  }
0x77: {  	_ =	shalt  }
0x78: {  	_ =	shalt  }
0x79: {  	_ =	shalt  }
0x7a: {  	_ =	shalt  }
0x7b: {  	_ =	shalt  }
0x7c: {  	_ =	shalt  }
0x7d: {  	_ =	shalt  }
0x7e: {  	_ =	shalt  }
0x7f: {  	_ =	shalt  }
0x80: {  	_ =	shalt  }
0x81: {  	_ =	shalt  }
0x82: {  	_ =	shalt  }
0x83: {  	_ =	shalt  }
0x84: {  	_ =	shalt  }
0x85: {  	_ =	shalt  }
0x86: {  	_ =	shalt  }
0x87: {  	_ =	shalt  }
.Lfunc_end0:
.L_simem_size_0:
called_computation_lowered:
.L_overlay_start_0:
0x88: {  	s2 =	sld [smem:$0x3FD9]  }
0x89: {  	s3 =	sld [smem:$0x3FFE];
	_ =	sdelay $0x1  }
0x8a: {  	s1 =	srdreg.scid  }
0x8b: {  	s0 =	sand.u32 $0x1, s1  }
0x8c: {  	s17 =	sshll.u32 s0, $0xA;
	s2 =	sadd.s32 s3, s2  }
0x8d: {  	s2 =	sadd.s32 s2, s17  }
0x8e: {  	[smem:$0x3FC6] =	sst s2  }
0x8f: {  	_ = 	snop  }
0x90: {  	s2 =	sld [smem:$0x3FD0];
	(tm) =	ssettm $0x1  }
0x91: {  	s18 =	sld [smem:$0x3FFB];
	_ =	sdelay $0x3  }
0x92: {  	_ =	strace s18  }
0x93: {  	s3 =	sld [smem:$0x3FFC];
	_ =	sdelay $0x3  }
0x94: {  	_ =	strace s3  }
0x95: {  	s3 =	sld [smem:$0x3FFD];
	_ =	sdelay $0x3  }
0x96: {  	_ =	strace s3  }
0x97: {  	_ =	strace $0x8FFFFFFF  }
0x98: {  	s19 =	sld [smem:$0x3FDB];
	_ =	sdelay $0x1  }
0x99: {  	s4 =	simm.s32 $_scs_section_size  }
0x9a: {  	s5 =	simm.s32 $_size__tile_overlayer_lowered;
	s6 =	simm.s32 $_tile_overlayer_lowered  }
0x9b: {  	s22 =	simm.s32 $0x1BFF;
	s21 =	sshll.u32 s6, $0x1;
	s3 =	sadd.s32 s4, s19  }
0x9c: {  	s7 =	simm.s32 $0x0;
	s20 =	sshll.u32 s5, $0x1;
	s5 =	sadd.s32 s21, s3  }
0x9d: {  	[timem:s7], [sflag:s22] =	dma.local [hbm:s5], s20  }
0x9e: {  	_ =	swait.ge [sflag:s22], s20  }
0x9f: {  	s4 =	ssub.s32 $0x0, s20;
	[sflag:s22] =	ssyncset.done $0x0  }
0xa0: {  	[sflag:s22] =	ssyncadd.s32 s4;
	_ =	sdelay $0x1  }
0xa1: {  	s23 =	simm.s32 $0x1B8B  }
0xa2: {  	_ =	swait.ge [sflag:s23], $0x1  }
0xa3: {  	[sflag:s23] =	ssyncset.done $0x0  }
0xa4: {  	s25 =	simm.s32 $0x1B8E;
	s24 =	sld [smem:$0x3FFE];
	[sflag:s23] =	ssyncadd.s32 $0xFFFFFFFF  }
0xa5: {  	s26 =	simm.s32 $execute0_lowered;
	[smem:$0x3FD2] =	sst s25  }
0xa6: {  	s5 =	sshll.u32 s26, $0x1;
	_ =	strace $0x80000046;
	[dreg:$0x1] =	wrdreg $0xFFFFFFFF  }
0xa7: {  	s28 =	simm.s32 $_size_execute0_lowered;
	s3 =	sadd.s32 s3, s5;
	[dreg:$0x0] =	wrdreg $0x0  }
0xa8: {  	s5 =	sshll.u32 s28, $0x1;
	[dreg:$0x2] =	wrdreg s3  }
0xa9: {  	[dreg:$0x3] =	wrdreg s5  }
0xaa: {  	[dreg:$0x4] =	wrdreg $0xC0  }
0xab: {  	_ =	task [dreg:s7], $0x5FFFF  }
0xac: {  	[dreg:$0x1] =	wrdreg $0xFFFFFFFF  }
0xad: {  	[dreg:$0x0] =	wrdreg $0x60  }
0xae: {  	[dreg:$0x2] =	wrdreg s24  }
0xaf: {  	[dreg:$0x3] =	wrdreg s2  }
0xb0: {  	[dreg:$0x4] =	wrdreg $0x9  }
0xb1: {  	_ =	task.clear_ibuf [dreg:s7], $0x5FFFF;
	_ =	strace $0x90000046  }
0xb2: {  	s29 =	simm.s32 $0x9;
	_ =	strace $0x80000048  }
0xb3: {  	_ =	swait.ge [sflag:s29], $0x1  }
0xb4: {  	[sflag:s29] =	ssyncadd.s32 $0xFFFFFFFF  }
0xb5: {  	_ =	strace $0x90000048  }
0xb6: {  	_ =	sfence  }
0xb7: {  	s30 =	sld [smem:$0x0];
	_ =	sdelay $0x2  }
0xb8: {  	s31 =	sshll.u32 s1, $0xD;
	s1 =	sshrl.u32 s1, $0x2  }
0xb9: {  	s3 =	sand.u32 $0x4000, s31;
	s1 =	sadd.s32 s1, s30  }
0xba: {  	s0 =	sor.u32 s3, s0;
	s1 =	sshll.u32 s1, $0x11  }
0xbb: {  	s0 =	sor.u32 s1, s0  }
0xbc: {  	s0 =	sadd.s32 $0x8F2B, s0  }
0xbd: {  	[sflag:s0] =	ssyncadd.remote.s32 $0x1  }
0xbe: {  	_ =	sfence.sel $0xFFFF  }
0xbf: {  	[dreg:$0x0] =	wrdreg $0xFFFFFFFF;
	(pc) =	sbr.abs _section_cstart, $3  }
0xc0: {  	[dreg:$0x1] =	wrdreg $0xFFFFFFFF  }
0xc1: {  	_ =	task.clear_ibuf [dreg:s7], $0x2FFFF;
	_ =	strace $0x9FFFFFFF  }
0xc2: {  	(tm) =	ssettm $0x7FFFFFFF  }
0xc3: {  	_ =	shalt  }
tec
execute0_lowered:
.L_overlay_start_1:
0x0: {  	(tag) =	ssettag $0x1  }
0x1: {  	s1 =	srdreg.scid;
	s0 =	stileid.u32  }
0x2: {  	s12 =	sand.u32 $0x1, s1;
	s31 =	sshll.u32 s0, $0x1  }
0x3: {  	s7 =	sor.u32 s12, s31  }
0x4: {  	s11 =	rddreg [dreg:$0x0];
	s6 =	smul.u32 $0xA0, s7  }
0x5: {  	s5 =	rddreg [dreg:$0x1];
	s2 =	simm.s32 $0x0  }
0x6: {  	s4 =	simm.s32 $0x2;
	[smem:$0x7FF] =	sst s2;
	s3 =	sshrl.u32 s6, $0x3  }
0x7: {  	s1 =	rddreg [dreg:$0x2];
	_ =	strace $0x80000047;
	s3 =	sadd.s32 s5, s3  }
0x8: {  	[tilespmem:s2], [sflag:$0x2] =	stream.linear.gather [hbm4b:s3+s2], $0x50, $0x38;
	[tilespmem:$0xAA0] =	vst v63  }
0x9: {  	s9 =	sadd.s32 $0x50, s6;
	_ =	swait.ge [sflag:s4], $0x50  }
0xa: {  	s6 =	sshrl.u32 s9, $0x3;
	[sflag:s4] =	ssyncset.done $0x0  }
0xb: {  	s5 =	sadd.s32 s5, s6;
	s6 =	simm.s32 $0x50;
	[sflag:s4] =	ssyncadd.s32 $0xFFFFFFB0  }
0xc: {  	[tilespmem:s6], [sflag:$0x2] =	stream.linear.gather [hbm4b:s5+s2], $0x50, $0x38;
	[tilespmem:$0xAA0] =	vst v63  }
0xd: {  	s7 =	smul.u32 $0x140, s7;
	_ =	swait.ge [sflag:s4], $0x50  }
0xe: {  	s10 =	sadd.s32 $0x400, s11;
	[sflag:s4] =	ssyncset.done $0x0  }
0xf: {  	s8 =	simm.s32 $0xA0;
	s7 =	sadd.s32 s10, s7;
	[sflag:s4] =	ssyncadd.s32 $0xFFFFFFB0  }
0x10: {  	[tilespmem:s8], [sflag:$0x2] =	stream.linear.gather [hbm4b:s7+s2], $0x500, $0x38;
	[tilespmem:$0xAA0] =	vst v63  }
0x11: {  	_ =	swait.ge [sflag:s4], $0x500  }
0x12: {  	s13 =	ssub.s32 $0x2, s12;
	s9 =	sshll.u32 s9, $0x1;
	[sflag:s4] =	ssyncset.done $0x0  }
0x13: {  	s9 =	sadd.s32 s10, s9;
	s10 =	simm.s32 $0x5A0;
	[sflag:s4] =	ssyncadd.s32 $0xFFFFFB00  }
0x14: {  	[tilespmem:s10], [sflag:$0x2] =	stream.linear.gather [hbm4b:s9+s2], $0x500, $0x38;
	[tilespmem:$0xAA0] =	vst v63  }
0x15: {  	s14 =	sshrl.u32 s13, $0x1;
	_ =	swait.ge [sflag:s4], $0x500  }
0x16: {  	s11 =	sadd.s32 $0x2C00, s11;
	s13 =	ssub.s32 s13, s14;
	[sflag:s4] =	ssyncset.done $0x0  }
0x17: {  	s12 =	simm.s32 $0x1;
	s13 =	smax.u32 s13, $0x1;
	[sflag:s4] =	ssyncadd.s32 $0xFFFFFB00  }
0x18: {  	[hbm4b:s11+s6] =	stream.indirect.scatter [tilespmem:s8], [sflag:$0x1], $0x10, s2, s6, $0xb8;
	[tilespmem:$0xAA0] =	vst v63  }
0x19: {  	p0 =	sne.s32 s13, $0x1;
	_ =	swait.ge [sflag:s12], $0x500  }
.Ltmp0:
0x1a: {  	[sflag:s12] =	ssyncset.done $0x0;
	(pc) =	sbr.rel @!p0 .LBB2_2-.Ltmp0, $4  }
0x1b: {  	[sflag:s12] =	ssyncadd.s32 $0xFFFFFB00  }
0x1c: {  	[hbm4b:s11+s6] =	stream.indirect.scatter [tilespmem:s10], [sflag:$0x1], $0x10, s6, s6, $0xb8;
	[tilespmem:$0xAA0] =	vst v63  }
0x1d: {  	_ =	swait.ge [sflag:s12], $0x500  }
0x1e: {  	s13 =	sadd.s32 $0xFFFFFFFF, s13;
	[sflag:s12] =	ssyncset.done $0x0  }
.LBB2_1:
0x1f: {  	p0 =	sne.s32 s13, $0x1;
	s13 =	sadd.s32 $0xFFFFFFFF, s13;
	[sflag:s12] =	ssyncadd.s32 $0xFFFFFB00  }
0x20: {  	[tilespmem:s2], [sflag:$0x2] =	stream.linear.gather [hbm4b:s3+s2], $0x50, $0x38;
	[tilespmem:$0xAA0] =	vst v63  }
0x21: {  	_ =	swait.ge [sflag:s4], $0x50  }
0x22: {  	[sflag:s4] =	ssyncset.done $0x0  }
0x23: {  	[sflag:s4] =	ssyncadd.s32 $0xFFFFFFB0  }
0x24: {  	[tilespmem:s6], [sflag:$0x2] =	stream.linear.gather [hbm4b:s5+s2], $0x50, $0x38;
	[tilespmem:$0xAA0] =	vst v63  }
0x25: {  	_ =	swait.ge [sflag:s4], $0x50  }
0x26: {  	[sflag:s4] =	ssyncset.done $0x0  }
0x27: {  	[sflag:s4] =	ssyncadd.s32 $0xFFFFFFB0  }
0x28: {  	[tilespmem:s8], [sflag:$0x2] =	stream.linear.gather [hbm4b:s7+s2], $0x500, $0x38;
	[tilespmem:$0xAA0] =	vst v63  }
0x29: {  	_ =	swait.ge [sflag:s4], $0x500  }
0x2a: {  	[sflag:s4] =	ssyncset.done $0x0  }
0x2b: {  	[sflag:s4] =	ssyncadd.s32 $0xFFFFFB00  }
0x2c: {  	[tilespmem:s10], [sflag:$0x2] =	stream.linear.gather [hbm4b:s9+s2], $0x500, $0x38;
	[tilespmem:$0xAA0] =	vst v63  }
0x2d: {  	_ =	swait.ge [sflag:s4], $0x500  }
0x2e: {  	[sflag:s4] =	ssyncset.done $0x0  }
0x2f: {  	[sflag:s4] =	ssyncadd.s32 $0xFFFFFB00  }
0x30: {  	[hbm4b:s11+s6] =	stream.indirect.scatter [tilespmem:s8], [sflag:$0x1], $0x10, s2, s6, $0xb8;
	[tilespmem:$0xAA0] =	vst v63  }
0x31: {  	_ =	swait.ge [sflag:s12], $0x500  }
.Ltmp1:
0x32: {  	[sflag:s12] =	ssyncset.done $0x0;
	(pc) =	sbr.rel @p0 .LBB2_1-.Ltmp1, $4  }
0x33: {  	[sflag:s12] =	ssyncadd.s32 $0xFFFFFB00  }
0x34: {  	[hbm4b:s11+s6] =	stream.indirect.scatter [tilespmem:s10], [sflag:$0x1], $0x10, s6, s6, $0xb8;
	[tilespmem:$0xAA0] =	vst v63  }
0x35: {  	_ =	swait.ge [sflag:s12], $0x500  }
0x36: {  	[sflag:s12] =	ssyncset.done $0x0  }
.LBB2_2:
0x37: {  	[sflag:s12] =	ssyncadd.s32 $0xFFFFFB00  }
0x38: {  	_ =	sfence.sel $0x180000  }
0x39: {  	[bflag:$0x0] =	sbarrier.arrive $0xFFFF  }
0x3a: {  	p0 =	sne.s32 s0, $0x0;
	_ =	strace $0x90000047  }
0x3b: {  	s0 =	sadd.s32 @!p0 $0x100000, s1;
	[bflag:$0x2] =	sbarrier.arrive $0xFFFF  }
0x3c: {  	[sflag:s0] =	ssyncadd.tile.s32 @!p0 $0x1;
	_ =	shalt  }
.Lfunc_end2:
_tile_overlayer_lowered:
.L_overlay_start_2:
0x3d: {  	(tag) =	ssettag $0x2  }
0x3e: {  	s0 =	rddreg [dreg:$0x0];
	s2 =	stileid.u32  }
0x3f: {  	s1 =	rddreg [dreg:$0x1];
	p0 =	sne.s32 s2, $0x0  }
0x40: {  	s3 =	rddreg [dreg:$0x2];
	[bflag:$0x3] =	sbarrier.arrive $0xFFFF;
	s2 =	simm.s32 @!p0 $0x1C02  }
0x41: {  	[timem:s3], [sflag:s2] =	dma.local @!p0 [hbm:s0], s1  }
0x42: {  	s0 =	simm.s32 @!p0 $0x2  }
0x43: {  	_ =	swait.ge @!p0 [sflag:s0], s1  }
0x44: {  	s1 =	ssub.s32 @!p0 $0x0, s1;
	[sflag:s0] =	ssyncset.done @!p0 $0x0  }
0x45: {  	[sflag:s0] =	ssyncadd.s32 @!p0 s1  }
0x46: {  	[bflag:$0x3] =	sbarrier.arrive $0xFFFF  }
0x47: {  	_ =	shalt  }

</sc_bundles>
